<compile_context>
chip_gen: v7x
topology: tpu7x:2x2x1
jax: 0.10.2.dev20260603
libtpu: 0.0.44.dev20260713+nightly
codegen_flags: <defaults>
</compile_context>

<pallas_src>
import functools
import math

import jax
import jax.numpy as jnp
from jax import lax
from jax.experimental import pallas as pl
from jax.experimental.pallas import tpu as pltpu
from jax.experimental.pallas import tpu_sc as plsc

_NUM_HEADS = 12
_SEGMENT_SIZE = 512
_DILATION = 2

_SC_CORES = 2
_SC_SUBCORES = 16
_SC_WORKERS = _SC_CORES * _SC_SUBCORES


def _sc_gather_rows(table, idx):
    _, d = table.shape
    b = idx.shape[0]
    assert b % (8 * _SC_WORKERS) == 0
    b_per_w = b // _SC_WORKERS
    mesh = plsc.VectorSubcoreMesh(core_axis_name="c", subcore_axis_name="s")

    @functools.partial(
        pl.kernel,
        mesh=mesh,
        out_type=jax.ShapeDtypeStruct((b, d), table.dtype),
        scratch_types=[
            pltpu.VMEM((b_per_w,), jnp.int32),
            pltpu.VMEM((b_per_w, d), table.dtype),
            pltpu.SemaphoreType.DMA,
        ],
    )
    def k(table_hbm, idx_hbm, out_hbm, idx_v, rows_v, sem):
        wid = lax.axis_index("s") * _SC_CORES + lax.axis_index("c")
        base = wid * b_per_w
        pltpu.sync_copy(idx_hbm.at[pl.ds(base, b_per_w)], idx_v)
        pltpu.async_copy(table_hbm.at[idx_v], rows_v, sem).wait()
        pltpu.sync_copy(rows_v, out_hbm.at[pl.ds(base, b_per_w)])

    return k(table, idx)


def _sc_scatter_rows(rows, idx):
    b, d = rows.shape
    assert b % (8 * _SC_WORKERS) == 0
    b_per_w = b // _SC_WORKERS
    mesh = plsc.VectorSubcoreMesh(core_axis_name="c", subcore_axis_name="s")

    @functools.partial(
        pl.kernel,
        mesh=mesh,
        out_type=jax.ShapeDtypeStruct((b, d), rows.dtype),
        scratch_types=[
            pltpu.VMEM((b_per_w,), jnp.int32),
            pltpu.VMEM((b_per_w, d), rows.dtype),
            pltpu.SemaphoreType.DMA,
        ],
    )
    def k(rows_hbm, idx_hbm, out_hbm, idx_v, rows_v, sem):
        wid = lax.axis_index("s") * _SC_CORES + lax.axis_index("c")
        base = wid * b_per_w
        pltpu.sync_copy(idx_hbm.at[pl.ds(base, b_per_w)], idx_v)
        pltpu.sync_copy(rows_hbm.at[pl.ds(base, b_per_w)], rows_v)
        pltpu.async_copy(rows_v, out_hbm.at[idx_v], sem).wait()

    return k(rows, idx)


def _fused_body(x_ref, xg_ref, wq_ref, wk_ref, wva_ref, wo_ref, o_ref,
                kg_s, vga_s, *, heads, dh):
    qb = pl.program_id(0)

    @pl.when(qb == 0)
    def _():
        xg_bf = xg_ref[...].astype(jnp.bfloat16)
        kg_s[...] = jnp.dot(xg_bf, wk_ref[...],
                            preferred_element_type=jnp.float32
                            ).astype(jnp.bfloat16)
        vga = jnp.dot(xg_bf, wva_ref[...], preferred_element_type=jnp.float32)
        col = lax.broadcasted_iota(jnp.int32, vga.shape, 1)
        vga_s[...] = jnp.where(col % 128 == 64, 1.0, vga).astype(jnp.bfloat16)

    q_blk = jnp.dot(x_ref[...], wq_ref[...],
                    preferred_element_type=jnp.float32).astype(jnp.bfloat16)
    ctx_parts = []
    for h in range(heads):
        lo = h * dh
        qh = q_blk[:, lo:lo + dh]
        kh = kg_s[:, lo:lo + dh]
        vh = vga_s[:, h * 128:(h + 1) * 128]
        s = lax.dot_general(qh, kh, (((1,), (1,)), ((), ())),
                            preferred_element_type=jnp.float32)
        e = jnp.exp2(s).astype(jnp.bfloat16)
        cs = jnp.dot(e, vh, preferred_element_type=jnp.float32)
        ctx_parts.append(cs[:, :dh] / cs[:, dh:dh + 1])
    ctx = jnp.concatenate(ctx_parts, axis=1).astype(jnp.bfloat16)
    o_ref[...] = jnp.dot(ctx, wo_ref[...], preferred_element_type=jnp.float32)


def _tc_fused_attention(x2_bf, xg, wq_bf, wk_bf, wva_bf, wo_bf, heads, dh,
                        qb_rows=512):
    s_len, d = x2_bf.shape
    nk = xg.shape[0]
    da = wva_bf.shape[1]
    n_qb = s_len // qb_rows
    body = functools.partial(_fused_body, heads=heads, dh=dh)
    return pl.pallas_call(
        body,
        grid=(n_qb,),
        in_specs=[
            pl.BlockSpec((qb_rows, d), lambda i: (i, 0)),
            pl.BlockSpec((nk, d), lambda i: (0, 0)),
            pl.BlockSpec((d, d), lambda i: (0, 0)),
            pl.BlockSpec((d, d), lambda i: (0, 0)),
            pl.BlockSpec((d, da), lambda i: (0, 0)),
            pl.BlockSpec((d, d), lambda i: (0, 0)),
        ],
        out_specs=pl.BlockSpec((qb_rows, d), lambda i: (i, 0)),
        out_shape=jax.ShapeDtypeStruct((s_len, d), jnp.float32),
        scratch_shapes=[
            pltpu.VMEM((nk, d), jnp.bfloat16),
            pltpu.VMEM((nk, da), jnp.bfloat16),
        ],
        compiler_params=pltpu.CompilerParams(
            dimension_semantics=("arbitrary",)),
    )(x2_bf, xg, wq_bf, wk_bf, wva_bf, wo_bf)


def kernel(x, Wq, Wk, Wv, Wo, hilbert_map):
    b, s_len, d = x.shape
    heads = _NUM_HEADS
    dh = d // heads
    scale = math.log2(math.e) / math.sqrt(dh)
    x2 = x.reshape(s_len, d)
    x2_bf = x2.astype(jnp.bfloat16)
    wq_bf = (Wq * scale).astype(jnp.bfloat16)
    wk_bf = Wk.astype(jnp.bfloat16)
    wv_r = Wv.reshape(d, heads, dh)
    wva = jnp.concatenate([wv_r, jnp.zeros_like(wv_r)], axis=2).reshape(d, -1)
    wva_bf = wva.astype(jnp.bfloat16)
    wo_bf = Wo.astype(jnp.bfloat16)
    kv_pos = lax.slice(hilbert_map, (0,), (s_len,), (_DILATION,))
    xg = _sc_gather_rows(x2, kv_pos)
    y = _tc_fused_attention(x2_bf, xg, wq_bf, wk_bf, wva_bf, wo_bf, heads, dh)
    out2 = _sc_scatter_rows(y, hilbert_map)
    return out2.reshape(b, s_len, d)

# --- scband reference (transcript-rebuilt; emitter-appended) ---
"""Pipeline reference for scband-hilbert-dilated-attention-triton-58926951301480 (READ-ONLY COPY).

The authoritative reference and input builder live on the scoring server;
editing this copy changes nothing except your own understanding.
"""

import jax, jax.numpy as jnp
import numpy as np
import math

HIDDEN_DIM = 768
NUM_HEADS = 12
SEGMENT_SIZE = 512
DILATION_RATE = 2


def _hilbert_curve(n):
    if n == 1:
        return [(0, 0)]
    m = n // 2
    sub = _hilbert_curve(m)
    pts = []
    for x, y in sub:
        pts.append((y, x))
    for x, y in sub:
        pts.append((x, y + m))
    for x, y in sub:
        pts.append((x + m, y + m))
    for x, y in sub:
        pts.append((m - 1 - y + m, m - 1 - x))
    return pts


def _generate_hilbert_map(seq_len):
    grid = 2 ** int(math.ceil(math.log2(math.sqrt(seq_len))))
    pts = _hilbert_curve(grid)
    lin2hil = np.zeros(seq_len, dtype=np.int32)
    for h, (x, y) in enumerate(pts[:seq_len]):
        lin = y * grid + x
        if lin < seq_len:
            lin2hil[lin] = h
    return jnp.asarray(lin2hil, dtype=jnp.int32)


def setup_inputs(seed: int = 0) -> dict:
    key = jax.random.key(seed)
    ks = jax.random.split(key, 5)
    B, S, D = 1, 4096, HIDDEN_DIM
    x = jax.random.normal(ks[0], (B, S, D), dtype=jnp.float32)
    Wq = jax.random.normal(ks[1], (D, D), dtype=jnp.float32) * 0.02
    Wk = jax.random.normal(ks[2], (D, D), dtype=jnp.float32) * 0.02
    Wv = jax.random.normal(ks[3], (D, D), dtype=jnp.float32) * 0.02
    Wo = jax.random.normal(ks[4], (D, D), dtype=jnp.float32) * 0.02
    hilbert_map = _generate_hilbert_map(S)
    return {"x": x, "Wq": Wq, "Wk": Wk, "Wv": Wv, "Wo": Wo, "hilbert_map": hilbert_map}


def reference(x, Wq, Wk, Wv, Wo, hilbert_map):
    B, S, D = x.shape
    H = NUM_HEADS
    Dh = D // H
    SEG = SEGMENT_SIZE
    DIL = DILATION_RATE
    q = (x @ Wq).reshape(B, S, H, Dh).transpose(0, 2, 1, 3)
    k = (x @ Wk).reshape(B, S, H, Dh).transpose(0, 2, 1, 3)
    v = (x @ Wv).reshape(B, S, H, Dh).transpose(0, 2, 1, 3)
    # dilated key indices in hilbert-index space: within each segment, step by DILATION_RATE
    n_segs = S // SEG
    within = jnp.arange(0, SEG, DIL)
    key_ids = (jnp.arange(n_segs)[:, None] * SEG + within[None, :]).reshape(-1)
    # kernel maps hilbert indices to linear positions for K/V loads
    kv_pos = jnp.take(hilbert_map, key_ids, axis=0)
    Kg = jnp.take(k, kv_pos, axis=2)
    Vg = jnp.take(v, kv_pos, axis=2)
    scale = 1.0 / math.sqrt(Dh)
    scores = jnp.einsum('bhqd,bhkd->bhqk', q, Kg) * scale
    p = jax.nn.softmax(scores, axis=-1)
    out_h = jnp.einsum('bhqk,bhkd->bhqd', p, Vg)
    # kernel scatters row m of the accumulator to linear position hilbert_map[m]
    out_perm = jnp.zeros_like(out_h).at[:, :, hilbert_map, :].set(out_h)
    out = out_perm.transpose(0, 2, 1, 3).reshape(B, S, D)
    return out @ Wo

if __name__ == "__main__":
    import jax
    _d = setup_inputs()
    print(jax.jit(kernel)(*tuple(_d.values())))

</pallas_src>

<mosaic_0001>
#map = affine_map<(d0, d1) -> (0, 0)>
#map1 = affine_map<(d0, d1) -> (0)>
module attributes {stable_mosaic.version = 14 : i64} {
  func.func @k(%arg0: i32, %arg1: i32, %arg2: memref<4096x768xf32, #tpu.memory_space<hbm>>, %arg3: memref<4096xi32, #tpu.memory_space<hbm>>, %arg4: memref<4096x768xf32, #tpu.memory_space<hbm>>, %arg5: memref<128xi32, #tpu.memory_space<vmem>>, %arg6: memref<128x768xf32, #tpu.memory_space<vmem>>, %arg7: memref<!tpu.dma_semaphore, #tpu.memory_space<semaphore_mem>>) attributes {dimension_semantics = [#tpu.dimension_semantics<core_parallel>, #tpu.dimension_semantics<subcore_parallel>], iteration_bounds = array<i64: 2, 16>, scalar_prefetch = 0 : i64, scratch_operands = 3 : i64, tpu.core_type = #tpu.core_type<sc_vector_subcore>, window_params = [{transform_indices = #map}, {transform_indices = #map1}, {transform_indices = #map}]} {
    %mul3A = arith.constant 2 : i32
    %mul3A_0 = arith.muli %arg1, %mul3A : i32
    %add3A = arith.addi %mul3A_0, %arg0 : i32
    %mul3A_1 = arith.constant 128 : i32
    %mul3A_2 = arith.muli %add3A, %mul3A_1 : i32
    "tpu.region"() ({
      %run_scoped3A = tpu.sem_alloc : memref<!tpu.dma_semaphore, #tpu.memory_space<semaphore_mem>>
      %dma_start3A_7 = tpu.memref_slice %arg3[%mul3A_2] : memref<4096xi32, #tpu.memory_space<hbm>> -> memref<128xi32, #tpu.memory_space<hbm>>
      %dma_start3A_8 = tpu.memref_slice %arg3[%mul3A_2] : memref<4096xi32, #tpu.memory_space<hbm>> -> memref<128xi32, #tpu.memory_space<hbm>>
      tpu.enqueue_dma source(%dma_start3A_8 : memref<128xi32, #tpu.memory_space<hbm>>) target(%arg5 : memref<128xi32, #tpu.memory_space<vmem>>) target_semaphore(%run_scoped3A : memref<!tpu.dma_semaphore, #tpu.memory_space<semaphore_mem>>)
      %dma_wait3A_9 = tpu.memref_slice %arg3[%mul3A_2] : memref<4096xi32, #tpu.memory_space<hbm>> -> memref<128xi32, #tpu.memory_space<hbm>>
      %dma_wait3A_10 = tpu.memref_slice %arg3[%mul3A_2] : memref<4096xi32, #tpu.memory_space<hbm>> -> memref<128xi32, #tpu.memory_space<hbm>>
      tpu.wait_dma2 semaphore(%run_scoped3A : memref<!tpu.dma_semaphore, #tpu.memory_space<semaphore_mem>>) src(%dma_wait3A_10 : memref<128xi32, #tpu.memory_space<hbm>>) dst(%arg5 : memref<128xi32, #tpu.memory_space<vmem>>)
      tpu.yield
    }) : () -> ()
    "tpu.region"() ({
      %run_scoped3A = tpu.sem_alloc : memref<!tpu.dma_semaphore, #tpu.memory_space<semaphore_mem>>
      %dma_start3A_7 = arith.constant 0 : i32
      %dma_start3A_8 = tpu.memref_slice %arg2[%mul3A_2, %dma_start3A_7] : memref<4096x768xf32, #tpu.memory_space<hbm>> -> memref<128x768xf32, #tpu.memory_space<hbm>>
      %dma_start3A_9 = arith.constant 0 : i32
      %dma_start3A_10 = tpu.memref_slice %arg2[%mul3A_2, %dma_start3A_9] : memref<4096x768xf32, #tpu.memory_space<hbm>> -> memref<128x768xf32, #tpu.memory_space<hbm>>
      tpu.enqueue_dma source(%dma_start3A_10 : memref<128x768xf32, #tpu.memory_space<hbm>>) target(%arg6 : memref<128x768xf32, #tpu.memory_space<vmem>>) target_semaphore(%run_scoped3A : memref<!tpu.dma_semaphore, #tpu.memory_space<semaphore_mem>>)
      %dma_wait3A_11 = arith.constant 0 : i32
      %dma_wait3A_12 = tpu.memref_slice %arg2[%mul3A_2, %dma_wait3A_11] : memref<4096x768xf32, #tpu.memory_space<hbm>> -> memref<128x768xf32, #tpu.memory_space<hbm>>
      %dma_wait3A_13 = arith.constant 0 : i32
      %dma_wait3A_14 = tpu.memref_slice %arg2[%mul3A_2, %dma_wait3A_13] : memref<4096x768xf32, #tpu.memory_space<hbm>> -> memref<128x768xf32, #tpu.memory_space<hbm>>
      tpu.wait_dma2 semaphore(%run_scoped3A : memref<!tpu.dma_semaphore, #tpu.memory_space<semaphore_mem>>) src(%dma_wait3A_14 : memref<128x768xf32, #tpu.memory_space<hbm>>) dst(%arg6 : memref<128x768xf32, #tpu.memory_space<vmem>>)
      tpu.yield
    }) : () -> ()
    %dma_start3A = arith.constant 0 : i32
    %dma_start3A_3 = arith.constant 0 : i32
    %dma_start3A_4 = tpu.memref_slice %arg4[%dma_start3A, %dma_start3A_3] : memref<4096x768xf32, #tpu.memory_space<hbm>> -> memref<4096x768xf32, #tpu.memory_space<hbm>>
    tpu.enqueue_indirect_dma source(%arg6 : memref<128x768xf32, #tpu.memory_space<vmem>>) target(%dma_start3A_4 : memref<4096x768xf32, #tpu.memory_space<hbm>>) offsets(%arg5 : memref<128xi32, #tpu.memory_space<vmem>>) semaphore(%arg7 : memref<!tpu.dma_semaphore, #tpu.memory_space<semaphore_mem>>)
    %dma_wait3A = arith.constant 0 : i32
    %dma_wait3A_5 = arith.constant 0 : i32
    %dma_wait3A_6 = tpu.memref_slice %arg4[%dma_wait3A, %dma_wait3A_5] : memref<4096x768xf32, #tpu.memory_space<hbm>> -> memref<4096x768xf32, #tpu.memory_space<hbm>>
    tpu.wait_indirect_dma semaphore(%arg7 : memref<!tpu.dma_semaphore, #tpu.memory_space<semaphore_mem>>) src(%arg6 : memref<128x768xf32, #tpu.memory_space<vmem>>) dst(%dma_wait3A_6 : memref<4096x768xf32, #tpu.memory_space<hbm>>)
    return
  }
}

#map = affine_map<(d0, d1) -> (0, 0)>
#map1 = affine_map<(d0, d1) -> (0)>
module attributes {stable_mosaic.version = 14 : i64} {
  func.func @k(%arg0: i32, %arg1: i32, %arg2: memref<4096x768xf32, #tpu.memory_space<hbm>>, %arg3: memref<2048xi32, #tpu.memory_space<hbm>>, %arg4: memref<2048x768xf32, #tpu.memory_space<hbm>>, %arg5: memref<64xi32, #tpu.memory_space<vmem>>, %arg6: memref<64x768xf32, #tpu.memory_space<vmem>>, %arg7: memref<!tpu.dma_semaphore, #tpu.memory_space<semaphore_mem>>) attributes {dimension_semantics = [#tpu.dimension_semantics<core_parallel>, #tpu.dimension_semantics<subcore_parallel>], iteration_bounds = array<i64: 2, 16>, scalar_prefetch = 0 : i64, scratch_operands = 3 : i64, tpu.core_type = #tpu.core_type<sc_vector_subcore>, window_params = [{transform_indices = #map}, {transform_indices = #map1}, {transform_indices = #map}]} {
    %mul3A = arith.constant 2 : i32
    %mul3A_0 = arith.muli %arg1, %mul3A : i32
    %add3A = arith.addi %mul3A_0, %arg0 : i32
    %mul3A_1 = arith.constant 64 : i32
    %mul3A_2 = arith.muli %add3A, %mul3A_1 : i32
    "tpu.region"() ({
      %run_scoped3A = tpu.sem_alloc : memref<!tpu.dma_semaphore, #tpu.memory_space<semaphore_mem>>
      %dma_start3A_7 = tpu.memref_slice %arg3[%mul3A_2] : memref<2048xi32, #tpu.memory_space<hbm>> -> memref<64xi32, #tpu.memory_space<hbm>>
      %dma_start3A_8 = tpu.memref_slice %arg3[%mul3A_2] : memref<2048xi32, #tpu.memory_space<hbm>> -> memref<64xi32, #tpu.memory_space<hbm>>
      tpu.enqueue_dma source(%dma_start3A_8 : memref<64xi32, #tpu.memory_space<hbm>>) target(%arg5 : memref<64xi32, #tpu.memory_space<vmem>>) target_semaphore(%run_scoped3A : memref<!tpu.dma_semaphore, #tpu.memory_space<semaphore_mem>>)
      %dma_wait3A_9 = tpu.memref_slice %arg3[%mul3A_2] : memref<2048xi32, #tpu.memory_space<hbm>> -> memref<64xi32, #tpu.memory_space<hbm>>
      %dma_wait3A_10 = tpu.memref_slice %arg3[%mul3A_2] : memref<2048xi32, #tpu.memory_space<hbm>> -> memref<64xi32, #tpu.memory_space<hbm>>
      tpu.wait_dma2 semaphore(%run_scoped3A : memref<!tpu.dma_semaphore, #tpu.memory_space<semaphore_mem>>) src(%dma_wait3A_10 : memref<64xi32, #tpu.memory_space<hbm>>) dst(%arg5 : memref<64xi32, #tpu.memory_space<vmem>>)
      tpu.yield
    }) : () -> ()
    %dma_start3A = arith.constant 0 : i32
    %dma_start3A_3 = arith.constant 0 : i32
    %dma_start3A_4 = tpu.memref_slice %arg2[%dma_start3A, %dma_start3A_3] : memref<4096x768xf32, #tpu.memory_space<hbm>> -> memref<4096x768xf32, #tpu.memory_space<hbm>>
    tpu.enqueue_indirect_dma source(%dma_start3A_4 : memref<4096x768xf32, #tpu.memory_space<hbm>>) target(%arg6 : memref<64x768xf32, #tpu.memory_space<vmem>>) offsets(%arg5 : memref<64xi32, #tpu.memory_space<vmem>>) semaphore(%arg7 : memref<!tpu.dma_semaphore, #tpu.memory_space<semaphore_mem>>)
    %dma_wait3A = arith.constant 0 : i32
    %dma_wait3A_5 = arith.constant 0 : i32
    %dma_wait3A_6 = tpu.memref_slice %arg2[%dma_wait3A, %dma_wait3A_5] : memref<4096x768xf32, #tpu.memory_space<hbm>> -> memref<4096x768xf32, #tpu.memory_space<hbm>>
    tpu.wait_indirect_dma semaphore(%arg7 : memref<!tpu.dma_semaphore, #tpu.memory_space<semaphore_mem>>) src(%dma_wait3A_6 : memref<4096x768xf32, #tpu.memory_space<hbm>>) dst(%arg6 : memref<64x768xf32, #tpu.memory_space<vmem>>)
    "tpu.region"() ({
      %run_scoped3A = tpu.sem_alloc : memref<!tpu.dma_semaphore, #tpu.memory_space<semaphore_mem>>
      %dma_start3A_7 = arith.constant 0 : i32
      %dma_start3A_8 = tpu.memref_slice %arg4[%mul3A_2, %dma_start3A_7] : memref<2048x768xf32, #tpu.memory_space<hbm>> -> memref<64x768xf32, #tpu.memory_space<hbm>>
      %dma_start3A_9 = arith.constant 0 : i32
      %dma_start3A_10 = tpu.memref_slice %arg4[%mul3A_2, %dma_start3A_9] : memref<2048x768xf32, #tpu.memory_space<hbm>> -> memref<64x768xf32, #tpu.memory_space<hbm>>
      tpu.enqueue_dma source(%arg6 : memref<64x768xf32, #tpu.memory_space<vmem>>) target(%dma_start3A_10 : memref<64x768xf32, #tpu.memory_space<hbm>>) target_semaphore(%run_scoped3A : memref<!tpu.dma_semaphore, #tpu.memory_space<semaphore_mem>>)
      %dma_wait3A_11 = arith.constant 0 : i32
      %dma_wait3A_12 = tpu.memref_slice %arg4[%mul3A_2, %dma_wait3A_11] : memref<2048x768xf32, #tpu.memory_space<hbm>> -> memref<64x768xf32, #tpu.memory_space<hbm>>
      %dma_wait3A_13 = arith.constant 0 : i32
      %dma_wait3A_14 = tpu.memref_slice %arg4[%mul3A_2, %dma_wait3A_13] : memref<2048x768xf32, #tpu.memory_space<hbm>> -> memref<64x768xf32, #tpu.memory_space<hbm>>
      tpu.wait_dma2 semaphore(%run_scoped3A : memref<!tpu.dma_semaphore, #tpu.memory_space<semaphore_mem>>) src(%arg6 : memref<64x768xf32, #tpu.memory_space<vmem>>) dst(%dma_wait3A_14 : memref<64x768xf32, #tpu.memory_space<hbm>>)
      tpu.yield
    }) : () -> ()
    return
  }
}

module attributes {stable_mosaic.version = 14 : i64} {
  func.func @_fused_body(%arg0: i32, %arg1: memref<512x768xbf16, #tpu.memory_space<vmem>>, %arg2: memref<2048x768xf32, #tpu.memory_space<vmem>>, %arg3: memref<768x768xbf16, #tpu.memory_space<vmem>>, %arg4: memref<768x768xbf16, #tpu.memory_space<vmem>>, %arg5: memref<768x1536xbf16, #tpu.memory_space<vmem>>, %arg6: memref<768x768xbf16, #tpu.memory_space<vmem>>, %arg7: memref<512x768xf32, #tpu.memory_space<vmem>>, %arg8: memref<2048x768xbf16, #tpu.memory_space<vmem>>, %arg9: memref<2048x1536xbf16, #tpu.memory_space<vmem>>) attributes {dimension_semantics = [#tpu.dimension_semantics<arbitrary>], iteration_bounds = array<i64: 8>, scalar_prefetch = 0 : i64, scratch_operands = 2 : i64, tpu.core_type = #tpu.core_type<tc>, window_params = [{transform_indices = @transform_0, window_bounds = array<i64: 512, 768>}, {pipeline_mode = #tpu.pipeline_mode<synchronous>, transform_indices = @transform_1, window_bounds = array<i64: 2048, 768>}, {pipeline_mode = #tpu.pipeline_mode<synchronous>, transform_indices = @transform_2, window_bounds = array<i64: 768, 768>}, {pipeline_mode = #tpu.pipeline_mode<synchronous>, transform_indices = @transform_3, window_bounds = array<i64: 768, 768>}, {pipeline_mode = #tpu.pipeline_mode<synchronous>, transform_indices = @transform_4, window_bounds = array<i64: 768, 1536>}, {pipeline_mode = #tpu.pipeline_mode<synchronous>, transform_indices = @transform_5, window_bounds = array<i64: 768, 768>}, {transform_indices = @transform_6, window_bounds = array<i64: 512, 768>}]} {
    %eq3A = arith.constant 0 : i32
    %eq3A_0 = arith.cmpi eq, %arg0, %eq3A : i32
    %convert_element_type3A = arith.extui %eq3A_0 : i1 to i32
    %cond3A = arith.constant 0 : i32
    %cond3A_1 = arith.cmpi ne, %convert_element_type3A, %cond3A : i32
    scf.if %cond3A_1 {
      %get3A_218 = arith.constant 0 : index
      %get3A_219 = arith.constant 0 : index
      %get3A_220 = vector.load %arg2[%get3A_218, %get3A_219] : memref<2048x768xf32, #tpu.memory_space<vmem>>, vector<2048x768xf32>
      %convert_element_type3A_221 = arith.truncf %get3A_220 : vector<2048x768xf32> to vector<2048x768xbf16>
      %get3A_222 = arith.constant 0 : index
      %get3A_223 = arith.constant 0 : index
      %get3A_224 = vector.load %arg4[%get3A_222, %get3A_223] : memref<768x768xbf16, #tpu.memory_space<vmem>>, vector<768x768xbf16>
      %dot_general3A_225 = arith.constant dense<0.000000e+00> : vector<2048x768xf32>
      %dot_general3A_226 = tpu.matmul %convert_element_type3A_221, %get3A_224, %dot_general3A_225 {dimension_numbers = #tpu.dot_dimension_numbers<[1], [0], [0], [1], [0, 0, 1, 1], [], []>, transpose_lhs_hint = false} : vector<2048x768xbf16>, vector<768x768xbf16>, vector<2048x768xf32> -> vector<2048x768xf32>
      %convert_element_type3A_227 = arith.truncf %dot_general3A_226 : vector<2048x768xf32> to vector<2048x768xbf16>
      %swap3A_228 = arith.constant 0 : index
      %swap3A_229 = arith.constant 0 : index
      %swap3A_230 = vector.load %arg8[%swap3A_228, %swap3A_229] : memref<2048x768xbf16, #tpu.memory_space<vmem>>, vector<2048x768xbf16>
      tpu.vector_store %arg8[%swap3A_228, %swap3A_229], %convert_element_type3A_227 {strides = array<i32>} : memref<2048x768xbf16, #tpu.memory_space<vmem>>, vector<2048x768xbf16>,
      %get3A_231 = arith.constant 0 : index
      %get3A_232 = arith.constant 0 : index
      %get3A_233 = vector.load %arg5[%get3A_231, %get3A_232] : memref<768x1536xbf16, #tpu.memory_space<vmem>>, vector<768x1536xbf16>
      %dot_general3A_234 = arith.constant dense<0.000000e+00> : vector<2048x1536xf32>
      %dot_general3A_235 = tpu.matmul %convert_element_type3A_221, %get3A_233, %dot_general3A_234 {dimension_numbers = #tpu.dot_dimension_numbers<[1], [0], [0], [1], [0, 0, 1, 1], [], []>, transpose_lhs_hint = false} : vector<2048x768xbf16>, vector<768x1536xbf16>, vector<2048x1536xf32> -> vector<2048x1536xf32>
      %iota3A = tpu.iota {dimensions = array<i32: 1>} : vector<2048x1536xi32>
      %jit3A = arith.constant 128 : i32
      %eq3A_236 = arith.constant 0 : i32
      %eq3A_237 = arith.cmpi eq, %jit3A, %eq3A_236 : i32
      %jit3A_238 = arith.constant 1 : i32
      %select_n3A = arith.select %eq3A_237, %jit3A_238, %jit3A : i32
      %rem3A = vector.broadcast %select_n3A : i32 to vector<2048x1536xi32>
      %rem3A_239 = arith.remsi %iota3A, %rem3A : vector<2048x1536xi32>
      %ne3A = arith.constant 0 : i32
      %ne3A_240 = vector.broadcast %ne3A : i32 to vector<2048x1536xi32>
      %ne3A_241 = arith.cmpi ne, %rem3A_239, %ne3A_240 : vector<2048x1536xi32>
      %lt3A = arith.constant 0 : i32
      %lt3A_242 = vector.broadcast %lt3A : i32 to vector<2048x1536xi32>
      %lt3A_243 = arith.cmpi slt, %rem3A_239, %lt3A_242 : vector<2048x1536xi32>
      %lt3A_244 = arith.constant 0 : i32
      %lt3A_245 = arith.cmpi slt, %select_n3A, %lt3A_244 : i32
      %ne3A_246 = vector.broadcast %lt3A_245 : i1 to vector<2048x1536xi1>
      %ne3A_247 = vector.broadcast %ne3A_246 : vector<2048x1536xi1> to vector<2048x1536xi1>
      %ne3A_248 = arith.xori %lt3A_243, %ne3A_247 : vector<2048x1536xi1>
      %and3A = arith.andi %ne3A_248, %ne3A_241 : vector<2048x1536xi1>
      %add3A = vector.broadcast %select_n3A : i32 to vector<2048x1536xi32>
      %add3A_249 = arith.addi %rem3A_239, %add3A : vector<2048x1536xi32>
      %select_n3A_250 = arith.select %and3A, %add3A_249, %rem3A_239 : vector<2048x1536xi1>, vector<2048x1536xi32>
      %eq3A_251 = arith.constant 64 : i32
      %eq3A_252 = vector.broadcast %eq3A_251 : i32 to vector<2048x1536xi32>
      %eq3A_253 = arith.cmpi eq, %select_n3A_250, %eq3A_252 : vector<2048x1536xi32>
      %jit3A_254 = arith.constant 1.000000e+00 : f32
      %broadcast_in_dim3A = vector.broadcast %jit3A_254 : f32 to vector<2048x1536xf32>
      %select_n3A_255 = arith.select %eq3A_253, %broadcast_in_dim3A, %dot_general3A_235 : vector<2048x1536xi1>, vector<2048x1536xf32>
      %convert_element_type3A_256 = arith.truncf %select_n3A_255 : vector<2048x1536xf32> to vector<2048x1536xbf16>
      %swap3A_257 = arith.constant 0 : index
      %swap3A_258 = arith.constant 0 : index
      %swap3A_259 = vector.load %arg9[%swap3A_257, %swap3A_258] : memref<2048x1536xbf16, #tpu.memory_space<vmem>>, vector<2048x1536xbf16>
      tpu.vector_store %arg9[%swap3A_257, %swap3A_258], %convert_element_type3A_256 {strides = array<i32>} : memref<2048x1536xbf16, #tpu.memory_space<vmem>>, vector<2048x1536xbf16>,
    } else {
    }
    %get3A = arith.constant 0 : index
    %get3A_2 = arith.constant 0 : index
    %get3A_3 = vector.load %arg1[%get3A, %get3A_2] : memref<512x768xbf16, #tpu.memory_space<vmem>>, vector<512x768xbf16>
    %get3A_4 = arith.constant 0 : index
    %get3A_5 = arith.constant 0 : index
    %get3A_6 = vector.load %arg3[%get3A_4, %get3A_5] : memref<768x768xbf16, #tpu.memory_space<vmem>>, vector<768x768xbf16>
    %dot_general3A = arith.constant dense<0.000000e+00> : vector<512x768xf32>
    %dot_general3A_7 = tpu.matmul %get3A_3, %get3A_6, %dot_general3A {dimension_numbers = #tpu.dot_dimension_numbers<[1], [0], [0], [1], [0, 0, 1, 1], [], []>, transpose_lhs_hint = false} : vector<512x768xbf16>, vector<768x768xbf16>, vector<512x768xf32> -> vector<512x768xf32>
    %convert_element_type3A_8 = arith.truncf %dot_general3A_7 : vector<512x768xf32> to vector<512x768xbf16>
    %slice3A = vector.extract_strided_slice %convert_element_type3A_8 {offsets = [0, 0], sizes = [512, 64], strides = [1, 1]} : vector<512x768xbf16> to vector<512x64xbf16>
    %get3A_9 = arith.constant 0 : index
    %get3A_10 = arith.constant 0 : index
    %get3A_11 = vector.load %arg8[%get3A_9, %get3A_10] : memref<2048x768xbf16, #tpu.memory_space<vmem>>, vector<2048x64xbf16>
    %get3A_12 = arith.constant 0 : index
    %get3A_13 = arith.constant 0 : index
    %get3A_14 = vector.load %arg9[%get3A_12, %get3A_13] : memref<2048x1536xbf16, #tpu.memory_space<vmem>>, vector<2048x128xbf16>
    %dot_general3A_15 = arith.constant dense<0.000000e+00> : vector<512x2048xf32>
    %dot_general3A_16 = tpu.matmul %slice3A, %get3A_11, %dot_general3A_15 {dimension_numbers = #tpu.dot_dimension_numbers<[1], [1], [0], [0], [0, 0, 1, 0], [], []>, transpose_lhs_hint = false} : vector<512x64xbf16>, vector<2048x64xbf16>, vector<512x2048xf32> -> vector<512x2048xf32>
    %exp23A = math.exp2 %dot_general3A_16 : vector<512x2048xf32>
    %convert_element_type3A_17 = arith.truncf %exp23A : vector<512x2048xf32> to vector<512x2048xbf16>
    %dot_general3A_18 = arith.constant dense<0.000000e+00> : vector<512x128xf32>
    %dot_general3A_19 = tpu.matmul %convert_element_type3A_17, %get3A_14, %dot_general3A_18 {dimension_numbers = #tpu.dot_dimension_numbers<[1], [0], [0], [1], [0, 0, 1, 1], [], []>, transpose_lhs_hint = false} : vector<512x2048xbf16>, vector<2048x128xbf16>, vector<512x128xf32> -> vector<512x128xf32>
    %slice3A_20 = vector.extract_strided_slice %dot_general3A_19 {offsets = [0, 0], sizes = [512, 64], strides = [1, 1]} : vector<512x128xf32> to vector<512x64xf32>
    %slice3A_21 = vector.extract_strided_slice %dot_general3A_19 {offsets = [0, 64], sizes = [512, 1], strides = [1, 1]} : vector<512x128xf32> to vector<512x1xf32>
    %div3A = vector.broadcast %slice3A_21 : vector<512x1xf32> to vector<512x64xf32>
    %div3A_22 = arith.divf %slice3A_20, %div3A : vector<512x64xf32>
    %slice3A_23 = vector.extract_strided_slice %convert_element_type3A_8 {offsets = [0, 64], sizes = [512, 64], strides = [1, 1]} : vector<512x768xbf16> to vector<512x64xbf16>
    %get3A_24 = arith.constant 0 : index
    %get3A_25 = arith.constant 64 : index
    %get3A_26 = vector.load %arg8[%get3A_24, %get3A_25] : memref<2048x768xbf16, #tpu.memory_space<vmem>>, vector<2048x64xbf16>
    %get3A_27 = arith.constant 0 : index
    %get3A_28 = arith.constant 128 : index
    %get3A_29 = vector.load %arg9[%get3A_27, %get3A_28] : memref<2048x1536xbf16, #tpu.memory_space<vmem>>, vector<2048x128xbf16>
    %dot_general3A_30 = arith.constant dense<0.000000e+00> : vector<512x2048xf32>
    %dot_general3A_31 = tpu.matmul %slice3A_23, %get3A_26, %dot_general3A_30 {dimension_numbers = #tpu.dot_dimension_numbers<[1], [1], [0], [0], [0, 0, 1, 0], [], []>, transpose_lhs_hint = false} : vector<512x64xbf16>, vector<2048x64xbf16>, vector<512x2048xf32> -> vector<512x2048xf32>
    %exp23A_32 = math.exp2 %dot_general3A_31 : vector<512x2048xf32>
    %convert_element_type3A_33 = arith.truncf %exp23A_32 : vector<512x2048xf32> to vector<512x2048xbf16>
    %dot_general3A_34 = arith.constant dense<0.000000e+00> : vector<512x128xf32>
    %dot_general3A_35 = tpu.matmul %convert_element_type3A_33, %get3A_29, %dot_general3A_34 {dimension_numbers = #tpu.dot_dimension_numbers<[1], [0], [0], [1], [0, 0, 1, 1], [], []>, transpose_lhs_hint = false} : vector<512x2048xbf16>, vector<2048x128xbf16>, vector<512x128xf32> -> vector<512x128xf32>
    %slice3A_36 = vector.extract_strided_slice %dot_general3A_35 {offsets = [0, 0], sizes = [512, 64], strides = [1, 1]} : vector<512x128xf32> to vector<512x64xf32>
    %slice3A_37 = vector.extract_strided_slice %dot_general3A_35 {offsets = [0, 64], sizes = [512, 1], strides = [1, 1]} : vector<512x128xf32> to vector<512x1xf32>
    %div3A_38 = vector.broadcast %slice3A_37 : vector<512x1xf32> to vector<512x64xf32>
    %div3A_39 = arith.divf %slice3A_36, %div3A_38 : vector<512x64xf32>
    %slice3A_40 = vector.extract_strided_slice %convert_element_type3A_8 {offsets = [0, 128], sizes = [512, 64], strides = [1, 1]} : vector<512x768xbf16> to vector<512x64xbf16>
    %get3A_41 = arith.constant 0 : index
    %get3A_42 = arith.constant 128 : index
    %get3A_43 = vector.load %arg8[%get3A_41, %get3A_42] : memref<2048x768xbf16, #tpu.memory_space<vmem>>, vector<2048x64xbf16>
    %get3A_44 = arith.constant 0 : index
    %get3A_45 = arith.constant 256 : index
    %get3A_46 = vector.load %arg9[%get3A_44, %get3A_45] : memref<2048x1536xbf16, #tpu.memory_space<vmem>>, vector<2048x128xbf16>
    %dot_general3A_47 = arith.constant dense<0.000000e+00> : vector<512x2048xf32>
    %dot_general3A_48 = tpu.matmul %slice3A_40, %get3A_43, %dot_general3A_47 {dimension_numbers = #tpu.dot_dimension_numbers<[1], [1], [0], [0], [0, 0, 1, 0], [], []>, transpose_lhs_hint = false} : vector<512x64xbf16>, vector<2048x64xbf16>, vector<512x2048xf32> -> vector<512x2048xf32>
    %exp23A_49 = math.exp2 %dot_general3A_48 : vector<512x2048xf32>
    %convert_element_type3A_50 = arith.truncf %exp23A_49 : vector<512x2048xf32> to vector<512x2048xbf16>
    %dot_general3A_51 = arith.constant dense<0.000000e+00> : vector<512x128xf32>
    %dot_general3A_52 = tpu.matmul %convert_element_type3A_50, %get3A_46, %dot_general3A_51 {dimension_numbers = #tpu.dot_dimension_numbers<[1], [0], [0], [1], [0, 0, 1, 1], [], []>, transpose_lhs_hint = false} : vector<512x2048xbf16>, vector<2048x128xbf16>, vector<512x128xf32> -> vector<512x128xf32>
    %slice3A_53 = vector.extract_strided_slice %dot_general3A_52 {offsets = [0, 0], sizes = [512, 64], strides = [1, 1]} : vector<512x128xf32> to vector<512x64xf32>
    %slice3A_54 = vector.extract_strided_slice %dot_general3A_52 {offsets = [0, 64], sizes = [512, 1], strides = [1, 1]} : vector<512x128xf32> to vector<512x1xf32>
    %div3A_55 = vector.broadcast %slice3A_54 : vector<512x1xf32> to vector<512x64xf32>
    %div3A_56 = arith.divf %slice3A_53, %div3A_55 : vector<512x64xf32>
    %slice3A_57 = vector.extract_strided_slice %convert_element_type3A_8 {offsets = [0, 192], sizes = [512, 64], strides = [1, 1]} : vector<512x768xbf16> to vector<512x64xbf16>
    %get3A_58 = arith.constant 0 : index
    %get3A_59 = arith.constant 192 : index
    %get3A_60 = vector.load %arg8[%get3A_58, %get3A_59] : memref<2048x768xbf16, #tpu.memory_space<vmem>>, vector<2048x64xbf16>
    %get3A_61 = arith.constant 0 : index
    %get3A_62 = arith.constant 384 : index
    %get3A_63 = vector.load %arg9[%get3A_61, %get3A_62] : memref<2048x1536xbf16, #tpu.memory_space<vmem>>, vector<2048x128xbf16>
    %dot_general3A_64 = arith.constant dense<0.000000e+00> : vector<512x2048xf32>
    %dot_general3A_65 = tpu.matmul %slice3A_57, %get3A_60, %dot_general3A_64 {dimension_numbers = #tpu.dot_dimension_numbers<[1], [1], [0], [0], [0, 0, 1, 0], [], []>, transpose_lhs_hint = false} : vector<512x64xbf16>, vector<2048x64xbf16>, vector<512x2048xf32> -> vector<512x2048xf32>
    %exp23A_66 = math.exp2 %dot_general3A_65 : vector<512x2048xf32>
    %convert_element_type3A_67 = arith.truncf %exp23A_66 : vector<512x2048xf32> to vector<512x2048xbf16>
    %dot_general3A_68 = arith.constant dense<0.000000e+00> : vector<512x128xf32>
    %dot_general3A_69 = tpu.matmul %convert_element_type3A_67, %get3A_63, %dot_general3A_68 {dimension_numbers = #tpu.dot_dimension_numbers<[1], [0], [0], [1], [0, 0, 1, 1], [], []>, transpose_lhs_hint = false} : vector<512x2048xbf16>, vector<2048x128xbf16>, vector<512x128xf32> -> vector<512x128xf32>
    %slice3A_70 = vector.extract_strided_slice %dot_general3A_69 {offsets = [0, 0], sizes = [512, 64], strides = [1, 1]} : vector<512x128xf32> to vector<512x64xf32>
    %slice3A_71 = vector.extract_strided_slice %dot_general3A_69 {offsets = [0, 64], sizes = [512, 1], strides = [1, 1]} : vector<512x128xf32> to vector<512x1xf32>
    %div3A_72 = vector.broadcast %slice3A_71 : vector<512x1xf32> to vector<512x64xf32>
    %div3A_73 = arith.divf %slice3A_70, %div3A_72 : vector<512x64xf32>
    %slice3A_74 = vector.extract_strided_slice %convert_element_type3A_8 {offsets = [0, 256], sizes = [512, 64], strides = [1, 1]} : vector<512x768xbf16> to vector<512x64xbf16>
    %get3A_75 = arith.constant 0 : index
    %get3A_76 = arith.constant 256 : index
    %get3A_77 = vector.load %arg8[%get3A_75, %get3A_76] : memref<2048x768xbf16, #tpu.memory_space<vmem>>, vector<2048x64xbf16>
    %get3A_78 = arith.constant 0 : index
    %get3A_79 = arith.constant 512 : index
    %get3A_80 = vector.load %arg9[%get3A_78, %get3A_79] : memref<2048x1536xbf16, #tpu.memory_space<vmem>>, vector<2048x128xbf16>
    %dot_general3A_81 = arith.constant dense<0.000000e+00> : vector<512x2048xf32>
    %dot_general3A_82 = tpu.matmul %slice3A_74, %get3A_77, %dot_general3A_81 {dimension_numbers = #tpu.dot_dimension_numbers<[1], [1], [0], [0], [0, 0, 1, 0], [], []>, transpose_lhs_hint = false} : vector<512x64xbf16>, vector<2048x64xbf16>, vector<512x2048xf32> -> vector<512x2048xf32>
    %exp23A_83 = math.exp2 %dot_general3A_82 : vector<512x2048xf32>
    %convert_element_type3A_84 = arith.truncf %exp23A_83 : vector<512x2048xf32> to vector<512x2048xbf16>
    %dot_general3A_85 = arith.constant dense<0.000000e+00> : vector<512x128xf32>
    %dot_general3A_86 = tpu.matmul %convert_element_type3A_84, %get3A_80, %dot_general3A_85 {dimension_numbers = #tpu.dot_dimension_numbers<[1], [0], [0], [1], [0, 0, 1, 1], [], []>, transpose_lhs_hint = false} : vector<512x2048xbf16>, vector<2048x128xbf16>, vector<512x128xf32> -> vector<512x128xf32>
    %slice3A_87 = vector.extract_strided_slice %dot_general3A_86 {offsets = [0, 0], sizes = [512, 64], strides = [1, 1]} : vector<512x128xf32> to vector<512x64xf32>
    %slice3A_88 = vector.extract_strided_slice %dot_general3A_86 {offsets = [0, 64], sizes = [512, 1], strides = [1, 1]} : vector<512x128xf32> to vector<512x1xf32>
    %div3A_89 = vector.broadcast %slice3A_88 : vector<512x1xf32> to vector<512x64xf32>
    %div3A_90 = arith.divf %slice3A_87, %div3A_89 : vector<512x64xf32>
    %slice3A_91 = vector.extract_strided_slice %convert_element_type3A_8 {offsets = [0, 320], sizes = [512, 64], strides = [1, 1]} : vector<512x768xbf16> to vector<512x64xbf16>
    %get3A_92 = arith.constant 0 : index
    %get3A_93 = arith.constant 320 : index
    %get3A_94 = vector.load %arg8[%get3A_92, %get3A_93] : memref<2048x768xbf16, #tpu.memory_space<vmem>>, vector<2048x64xbf16>
    %get3A_95 = arith.constant 0 : index
    %get3A_96 = arith.constant 640 : index
    %get3A_97 = vector.load %arg9[%get3A_95, %get3A_96] : memref<2048x1536xbf16, #tpu.memory_space<vmem>>, vector<2048x128xbf16>
    %dot_general3A_98 = arith.constant dense<0.000000e+00> : vector<512x2048xf32>
    %dot_general3A_99 = tpu.matmul %slice3A_91, %get3A_94, %dot_general3A_98 {dimension_numbers = #tpu.dot_dimension_numbers<[1], [1], [0], [0], [0, 0, 1, 0], [], []>, transpose_lhs_hint = false} : vector<512x64xbf16>, vector<2048x64xbf16>, vector<512x2048xf32> -> vector<512x2048xf32>
    %exp23A_100 = math.exp2 %dot_general3A_99 : vector<512x2048xf32>
    %convert_element_type3A_101 = arith.truncf %exp23A_100 : vector<512x2048xf32> to vector<512x2048xbf16>
    %dot_general3A_102 = arith.constant dense<0.000000e+00> : vector<512x128xf32>
    %dot_general3A_103 = tpu.matmul %convert_element_type3A_101, %get3A_97, %dot_general3A_102 {dimension_numbers = #tpu.dot_dimension_numbers<[1], [0], [0], [1], [0, 0, 1, 1], [], []>, transpose_lhs_hint = false} : vector<512x2048xbf16>, vector<2048x128xbf16>, vector<512x128xf32> -> vector<512x128xf32>
    %slice3A_104 = vector.extract_strided_slice %dot_general3A_103 {offsets = [0, 0], sizes = [512, 64], strides = [1, 1]} : vector<512x128xf32> to vector<512x64xf32>
    %slice3A_105 = vector.extract_strided_slice %dot_general3A_103 {offsets = [0, 64], sizes = [512, 1], strides = [1, 1]} : vector<512x128xf32> to vector<512x1xf32>
    %div3A_106 = vector.broadcast %slice3A_105 : vector<512x1xf32> to vector<512x64xf32>
    %div3A_107 = arith.divf %slice3A_104, %div3A_106 : vector<512x64xf32>
    %slice3A_108 = vector.extract_strided_slice %convert_element_type3A_8 {offsets = [0, 384], sizes = [512, 64], strides = [1, 1]} : vector<512x768xbf16> to vector<512x64xbf16>
    %get3A_109 = arith.constant 0 : index
    %get3A_110 = arith.constant 384 : index
    %get3A_111 = vector.load %arg8[%get3A_109, %get3A_110] : memref<2048x768xbf16, #tpu.memory_space<vmem>>, vector<2048x64xbf16>
    %get3A_112 = arith.constant 0 : index
    %get3A_113 = arith.constant 768 : index
    %get3A_114 = vector.load %arg9[%get3A_112, %get3A_113] : memref<2048x1536xbf16, #tpu.memory_space<vmem>>, vector<2048x128xbf16>
    %dot_general3A_115 = arith.constant dense<0.000000e+00> : vector<512x2048xf32>
    %dot_general3A_116 = tpu.matmul %slice3A_108, %get3A_111, %dot_general3A_115 {dimension_numbers = #tpu.dot_dimension_numbers<[1], [1], [0], [0], [0, 0, 1, 0], [], []>, transpose_lhs_hint = false} : vector<512x64xbf16>, vector<2048x64xbf16>, vector<512x2048xf32> -> vector<512x2048xf32>
    %exp23A_117 = math.exp2 %dot_general3A_116 : vector<512x2048xf32>
    %convert_element_type3A_118 = arith.truncf %exp23A_117 : vector<512x2048xf32> to vector<512x2048xbf16>
    %dot_general3A_119 = arith.constant dense<0.000000e+00> : vector<512x128xf32>
    %dot_general3A_120 = tpu.matmul %convert_element_type3A_118, %get3A_114, %dot_general3A_119 {dimension_numbers = #tpu.dot_dimension_numbers<[1], [0], [0], [1], [0, 0, 1, 1], [], []>, transpose_lhs_hint = false} : vector<512x2048xbf16>, vector<2048x128xbf16>, vector<512x128xf32> -> vector<512x128xf32>
    %slice3A_121 = vector.extract_strided_slice %dot_general3A_120 {offsets = [0, 0], sizes = [512, 64], strides = [1, 1]} : vector<512x128xf32> to vector<512x64xf32>
    %slice3A_122 = vector.extract_strided_slice %dot_general3A_120 {offsets = [0, 64], sizes = [512, 1], strides = [1, 1]} : vector<512x128xf32> to vector<512x1xf32>
    %div3A_123 = vector.broadcast %slice3A_122 : vector<512x1xf32> to vector<512x64xf32>
    %div3A_124 = arith.divf %slice3A_121, %div3A_123 : vector<512x64xf32>
    %slice3A_125 = vector.extract_strided_slice %convert_element_type3A_8 {offsets = [0, 448], sizes = [512, 64], strides = [1, 1]} : vector<512x768xbf16> to vector<512x64xbf16>
    %get3A_126 = arith.constant 0 : index
    %get3A_127 = arith.constant 448 : index
    %get3A_128 = vector.load %arg8[%get3A_126, %get3A_127] : memref<2048x768xbf16, #tpu.memory_space<vmem>>, vector<2048x64xbf16>
    %get3A_129 = arith.constant 0 : index
    %get3A_130 = arith.constant 896 : index
    %get3A_131 = vector.load %arg9[%get3A_129, %get3A_130] : memref<2048x1536xbf16, #tpu.memory_space<vmem>>, vector<2048x128xbf16>
    %dot_general3A_132 = arith.constant dense<0.000000e+00> : vector<512x2048xf32>
    %dot_general3A_133 = tpu.matmul %slice3A_125, %get3A_128, %dot_general3A_132 {dimension_numbers = #tpu.dot_dimension_numbers<[1], [1], [0], [0], [0, 0, 1, 0], [], []>, transpose_lhs_hint = false} : vector<512x64xbf16>, vector<2048x64xbf16>, vector<512x2048xf32> -> vector<512x2048xf32>
    %exp23A_134 = math.exp2 %dot_general3A_133 : vector<512x2048xf32>
    %convert_element_type3A_135 = arith.truncf %exp23A_134 : vector<512x2048xf32> to vector<512x2048xbf16>
    %dot_general3A_136 = arith.constant dense<0.000000e+00> : vector<512x128xf32>
    %dot_general3A_137 = tpu.matmul %convert_element_type3A_135, %get3A_131, %dot_general3A_136 {dimension_numbers = #tpu.dot_dimension_numbers<[1], [0], [0], [1], [0, 0, 1, 1], [], []>, transpose_lhs_hint = false} : vector<512x2048xbf16>, vector<2048x128xbf16>, vector<512x128xf32> -> vector<512x128xf32>
    %slice3A_138 = vector.extract_strided_slice %dot_general3A_137 {offsets = [0, 0], sizes = [512, 64], strides = [1, 1]} : vector<512x128xf32> to vector<512x64xf32>
    %slice3A_139 = vector.extract_strided_slice %dot_general3A_137 {offsets = [0, 64], sizes = [512, 1], strides = [1, 1]} : vector<512x128xf32> to vector<512x1xf32>
    %div3A_140 = vector.broadcast %slice3A_139 : vector<512x1xf32> to vector<512x64xf32>
    %div3A_141 = arith.divf %slice3A_138, %div3A_140 : vector<512x64xf32>
    %slice3A_142 = vector.extract_strided_slice %convert_element_type3A_8 {offsets = [0, 512], sizes = [512, 64], strides = [1, 1]} : vector<512x768xbf16> to vector<512x64xbf16>
    %get3A_143 = arith.constant 0 : index
    %get3A_144 = arith.constant 512 : index
    %get3A_145 = vector.load %arg8[%get3A_143, %get3A_144] : memref<2048x768xbf16, #tpu.memory_space<vmem>>, vector<2048x64xbf16>
    %get3A_146 = arith.constant 0 : index
    %get3A_147 = arith.constant 1024 : index
    %get3A_148 = vector.load %arg9[%get3A_146, %get3A_147] : memref<2048x1536xbf16, #tpu.memory_space<vmem>>, vector<2048x128xbf16>
    %dot_general3A_149 = arith.constant dense<0.000000e+00> : vector<512x2048xf32>
    %dot_general3A_150 = tpu.matmul %slice3A_142, %get3A_145, %dot_general3A_149 {dimension_numbers = #tpu.dot_dimension_numbers<[1], [1], [0], [0], [0, 0, 1, 0], [], []>, transpose_lhs_hint = false} : vector<512x64xbf16>, vector<2048x64xbf16>, vector<512x2048xf32> -> vector<512x2048xf32>
    %exp23A_151 = math.exp2 %dot_general3A_150 : vector<512x2048xf32>
    %convert_element_type3A_152 = arith.truncf %exp23A_151 : vector<512x2048xf32> to vector<512x2048xbf16>
    %dot_general3A_153 = arith.constant dense<0.000000e+00> : vector<512x128xf32>
    %dot_general3A_154 = tpu.matmul %convert_element_type3A_152, %get3A_148, %dot_general3A_153 {dimension_numbers = #tpu.dot_dimension_numbers<[1], [0], [0], [1], [0, 0, 1, 1], [], []>, transpose_lhs_hint = false} : vector<512x2048xbf16>, vector<2048x128xbf16>, vector<512x128xf32> -> vector<512x128xf32>
    %slice3A_155 = vector.extract_strided_slice %dot_general3A_154 {offsets = [0, 0], sizes = [512, 64], strides = [1, 1]} : vector<512x128xf32> to vector<512x64xf32>
    %slice3A_156 = vector.extract_strided_slice %dot_general3A_154 {offsets = [0, 64], sizes = [512, 1], strides = [1, 1]} : vector<512x128xf32> to vector<512x1xf32>
    %div3A_157 = vector.broadcast %slice3A_156 : vector<512x1xf32> to vector<512x64xf32>
    %div3A_158 = arith.divf %slice3A_155, %div3A_157 : vector<512x64xf32>
    %slice3A_159 = vector.extract_strided_slice %convert_element_type3A_8 {offsets = [0, 576], sizes = [512, 64], strides = [1, 1]} : vector<512x768xbf16> to vector<512x64xbf16>
    %get3A_160 = arith.constant 0 : index
    %get3A_161 = arith.constant 576 : index
    %get3A_162 = vector.load %arg8[%get3A_160, %get3A_161] : memref<2048x768xbf16, #tpu.memory_space<vmem>>, vector<2048x64xbf16>
    %get3A_163 = arith.constant 0 : index
    %get3A_164 = arith.constant 1152 : index
    %get3A_165 = vector.load %arg9[%get3A_163, %get3A_164] : memref<2048x1536xbf16, #tpu.memory_space<vmem>>, vector<2048x128xbf16>
    %dot_general3A_166 = arith.constant dense<0.000000e+00> : vector<512x2048xf32>
    %dot_general3A_167 = tpu.matmul %slice3A_159, %get3A_162, %dot_general3A_166 {dimension_numbers = #tpu.dot_dimension_numbers<[1], [1], [0], [0], [0, 0, 1, 0], [], []>, transpose_lhs_hint = false} : vector<512x64xbf16>, vector<2048x64xbf16>, vector<512x2048xf32> -> vector<512x2048xf32>
    %exp23A_168 = math.exp2 %dot_general3A_167 : vector<512x2048xf32>
    %convert_element_type3A_169 = arith.truncf %exp23A_168 : vector<512x2048xf32> to vector<512x2048xbf16>
    %dot_general3A_170 = arith.constant dense<0.000000e+00> : vector<512x128xf32>
    %dot_general3A_171 = tpu.matmul %convert_element_type3A_169, %get3A_165, %dot_general3A_170 {dimension_numbers = #tpu.dot_dimension_numbers<[1], [0], [0], [1], [0, 0, 1, 1], [], []>, transpose_lhs_hint = false} : vector<512x2048xbf16>, vector<2048x128xbf16>, vector<512x128xf32> -> vector<512x128xf32>
    %slice3A_172 = vector.extract_strided_slice %dot_general3A_171 {offsets = [0, 0], sizes = [512, 64], strides = [1, 1]} : vector<512x128xf32> to vector<512x64xf32>
    %slice3A_173 = vector.extract_strided_slice %dot_general3A_171 {offsets = [0, 64], sizes = [512, 1], strides = [1, 1]} : vector<512x128xf32> to vector<512x1xf32>
    %div3A_174 = vector.broadcast %slice3A_173 : vector<512x1xf32> to vector<512x64xf32>
    %div3A_175 = arith.divf %slice3A_172, %div3A_174 : vector<512x64xf32>
    %slice3A_176 = vector.extract_strided_slice %convert_element_type3A_8 {offsets = [0, 640], sizes = [512, 64], strides = [1, 1]} : vector<512x768xbf16> to vector<512x64xbf16>
    %get3A_177 = arith.constant 0 : index
    %get3A_178 = arith.constant 640 : index
    %get3A_179 = vector.load %arg8[%get3A_177, %get3A_178] : memref<2048x768xbf16, #tpu.memory_space<vmem>>, vector<2048x64xbf16>
    %get3A_180 = arith.constant 0 : index
    %get3A_181 = arith.constant 1280 : index
    %get3A_182 = vector.load %arg9[%get3A_180, %get3A_181] : memref<2048x1536xbf16, #tpu.memory_space<vmem>>, vector<2048x128xbf16>
    %dot_general3A_183 = arith.constant dense<0.000000e+00> : vector<512x2048xf32>
    %dot_general3A_184 = tpu.matmul %slice3A_176, %get3A_179, %dot_general3A_183 {dimension_numbers = #tpu.dot_dimension_numbers<[1], [1], [0], [0], [0, 0, 1, 0], [], []>, transpose_lhs_hint = false} : vector<512x64xbf16>, vector<2048x64xbf16>, vector<512x2048xf32> -> vector<512x2048xf32>
    %exp23A_185 = math.exp2 %dot_general3A_184 : vector<512x2048xf32>
    %convert_element_type3A_186 = arith.truncf %exp23A_185 : vector<512x2048xf32> to vector<512x2048xbf16>
    %dot_general3A_187 = arith.constant dense<0.000000e+00> : vector<512x128xf32>
    %dot_general3A_188 = tpu.matmul %convert_element_type3A_186, %get3A_182, %dot_general3A_187 {dimension_numbers = #tpu.dot_dimension_numbers<[1], [0], [0], [1], [0, 0, 1, 1], [], []>, transpose_lhs_hint = false} : vector<512x2048xbf16>, vector<2048x128xbf16>, vector<512x128xf32> -> vector<512x128xf32>
    %slice3A_189 = vector.extract_strided_slice %dot_general3A_188 {offsets = [0, 0], sizes = [512, 64], strides = [1, 1]} : vector<512x128xf32> to vector<512x64xf32>
    %slice3A_190 = vector.extract_strided_slice %dot_general3A_188 {offsets = [0, 64], sizes = [512, 1], strides = [1, 1]} : vector<512x128xf32> to vector<512x1xf32>
    %div3A_191 = vector.broadcast %slice3A_190 : vector<512x1xf32> to vector<512x64xf32>
    %div3A_192 = arith.divf %slice3A_189, %div3A_191 : vector<512x64xf32>
    %slice3A_193 = vector.extract_strided_slice %convert_element_type3A_8 {offsets = [0, 704], sizes = [512, 64], strides = [1, 1]} : vector<512x768xbf16> to vector<512x64xbf16>
    %get3A_194 = arith.constant 0 : index
    %get3A_195 = arith.constant 704 : index
    %get3A_196 = vector.load %arg8[%get3A_194, %get3A_195] : memref<2048x768xbf16, #tpu.memory_space<vmem>>, vector<2048x64xbf16>
    %get3A_197 = arith.constant 0 : index
    %get3A_198 = arith.constant 1408 : index
    %get3A_199 = vector.load %arg9[%get3A_197, %get3A_198] : memref<2048x1536xbf16, #tpu.memory_space<vmem>>, vector<2048x128xbf16>
    %dot_general3A_200 = arith.constant dense<0.000000e+00> : vector<512x2048xf32>
    %dot_general3A_201 = tpu.matmul %slice3A_193, %get3A_196, %dot_general3A_200 {dimension_numbers = #tpu.dot_dimension_numbers<[1], [1], [0], [0], [0, 0, 1, 0], [], []>, transpose_lhs_hint = false} : vector<512x64xbf16>, vector<2048x64xbf16>, vector<512x2048xf32> -> vector<512x2048xf32>
    %exp23A_202 = math.exp2 %dot_general3A_201 : vector<512x2048xf32>
    %convert_element_type3A_203 = arith.truncf %exp23A_202 : vector<512x2048xf32> to vector<512x2048xbf16>
    %dot_general3A_204 = arith.constant dense<0.000000e+00> : vector<512x128xf32>
    %dot_general3A_205 = tpu.matmul %convert_element_type3A_203, %get3A_199, %dot_general3A_204 {dimension_numbers = #tpu.dot_dimension_numbers<[1], [0], [0], [1], [0, 0, 1, 1], [], []>, transpose_lhs_hint = false} : vector<512x2048xbf16>, vector<2048x128xbf16>, vector<512x128xf32> -> vector<512x128xf32>
    %slice3A_206 = vector.extract_strided_slice %dot_general3A_205 {offsets = [0, 0], sizes = [512, 64], strides = [1, 1]} : vector<512x128xf32> to vector<512x64xf32>
    %slice3A_207 = vector.extract_strided_slice %dot_general3A_205 {offsets = [0, 64], sizes = [512, 1], strides = [1, 1]} : vector<512x128xf32> to vector<512x1xf32>
    %div3A_208 = vector.broadcast %slice3A_207 : vector<512x1xf32> to vector<512x64xf32>
    %div3A_209 = arith.divf %slice3A_206, %div3A_208 : vector<512x64xf32>
    %concatenate3A = tpu.concatenate %div3A_22, %div3A_39, %div3A_56, %div3A_73, %div3A_90, %div3A_107, %div3A_124, %div3A_141, %div3A_158, %div3A_175, %div3A_192, %div3A_209 in 1 : vector<512x64xf32>, vector<512x64xf32>, vector<512x64xf32>, vector<512x64xf32>, vector<512x64xf32>, vector<512x64xf32>, vector<512x64xf32>, vector<512x64xf32>, vector<512x64xf32>, vector<512x64xf32>, vector<512x64xf32>, vector<512x64xf32> -> vector<512x768xf32>
    %convert_element_type3A_210 = arith.truncf %concatenate3A : vector<512x768xf32> to vector<512x768xbf16>
    %get3A_211 = arith.constant 0 : index
    %get3A_212 = arith.constant 0 : index
    %get3A_213 = vector.load %arg6[%get3A_211, %get3A_212] : memref<768x768xbf16, #tpu.memory_space<vmem>>, vector<768x768xbf16>
    %dot_general3A_214 = arith.constant dense<0.000000e+00> : vector<512x768xf32>
    %dot_general3A_215 = tpu.matmul %convert_element_type3A_210, %get3A_213, %dot_general3A_214 {dimension_numbers = #tpu.dot_dimension_numbers<[1], [0], [0], [1], [0, 0, 1, 1], [], []>, transpose_lhs_hint = false} : vector<512x768xbf16>, vector<768x768xbf16>, vector<512x768xf32> -> vector<512x768xf32>
    %swap3A = arith.constant 0 : index
    %swap3A_216 = arith.constant 0 : index
    %swap3A_217 = vector.load %arg7[%swap3A, %swap3A_216] : memref<512x768xf32, #tpu.memory_space<vmem>>, vector<512x768xf32>
    tpu.vector_store %arg7[%swap3A, %swap3A_216], %dot_general3A_215 {strides = array<i32>} : memref<512x768xf32, #tpu.memory_space<vmem>>, vector<512x768xf32>,
    return
  }
  func.func @transform_0(%arg0: i32) -> (i32, i32) {
    %c0_i32 = arith.constant 0 : i32
    %c0_i32_0 = arith.constant 0 : i32
    return %arg0, %c0_i32 : i32, i32
  }
  func.func @transform_1(%arg0: i32) -> (i32, i32) {
    %c0_i32 = arith.constant 0 : i32
    %c0_i32_0 = arith.constant 0 : i32
    %c0_i32_1 = arith.constant 0 : i32
    return %c0_i32, %c0_i32_0 : i32, i32
  }
  func.func @transform_2(%arg0: i32) -> (i32, i32) {
    %c0_i32 = arith.constant 0 : i32
    %c0_i32_0 = arith.constant 0 : i32
    %c0_i32_1 = arith.constant 0 : i32
    return %c0_i32, %c0_i32_0 : i32, i32
  }
  func.func @transform_3(%arg0: i32) -> (i32, i32) {
    %c0_i32 = arith.constant 0 : i32
    %c0_i32_0 = arith.constant 0 : i32
    %c0_i32_1 = arith.constant 0 : i32
    return %c0_i32, %c0_i32_0 : i32, i32
  }
  func.func @transform_4(%arg0: i32) -> (i32, i32) {
    %c0_i32 = arith.constant 0 : i32
    %c0_i32_0 = arith.constant 0 : i32
    %c0_i32_1 = arith.constant 0 : i32
    return %c0_i32, %c0_i32_0 : i32, i32
  }
  func.func @transform_5(%arg0: i32) -> (i32, i32) {
    %c0_i32 = arith.constant 0 : i32
    %c0_i32_0 = arith.constant 0 : i32
    %c0_i32_1 = arith.constant 0 : i32
    return %c0_i32, %c0_i32_0 : i32, i32
  }
  func.func @transform_6(%arg0: i32) -> (i32, i32) {
    %c0_i32 = arith.constant 0 : i32
    %c0_i32_0 = arith.constant 0 : i32
    return %arg0, %c0_i32 : i32, i32
  }
}

</mosaic_0001>

<sc_bundles>
// kernel: kernel.5.cloned.1.call-start
scs
__scs_entry_jumppad:
0x0: {  	(pc) =	sbr.rel $0x88, $3  }
0x1: {  	(tag) =	ssettag $0x0;
	lr =	simm.s32 $0x1  }
0x2: {  	[smem:$0x3F9B] =	sst lr;
	_ =	strace $0xD0000000  }
0x3: {  	_ = 	snop  }
0x4: {  	_ = 	snop  }
0x5: {  	_ = 	snop  }
0x6: {  	_ = 	snop  }
0x7: {  	_ = 	snop  }
__scs_overlays_trampoline_lowered:
0x8: {  	[smem:$0x3FAA] =	sst s0  }
0x9: {  	[smem:$0x3FAB] =	sst s1  }
0xa: {  	[smem:$0x3FAC] =	sst s2  }
0xb: {  	[smem:$0x3FAD] =	sst s3  }
0xc: {  	[smem:$0x3FAE] =	sst s4  }
0xd: {  	[smem:$0x3FAF] =	sst s5  }
0xe: {  	[smem:$0x3FB0] =	sst s6  }
0xf: {  	[smem:$0x3FB1] =	sst s7  }
0x10: {  	[smem:$0x3FB2] =	sst s8  }
0x11: {  	[smem:$0x3FB3] =	sst s9;
	s0 =	simm.s32 @!p0 $0x0  }
0x12: {  	s1 =	sld [smem:$0x3F99];
	s0 =	simm.s32 @p0 $0x1  }
0x13: {  	[smem:$0x3FB4] =	sst s0;
	s0 =	simm.s32 @!p1 $0x0  }
0x14: {  	s2 =	sld [smem:$0x3F98];
	s0 =	simm.s32 @p1 $0x1  }
0x15: {  	[smem:$0x3FB5] =	sst s0;
	s0 =	simm.s32 @!p2 $0x0  }
0x16: {  	s3 =	sld [smem:$0x3FDB];
	s0 =	simm.s32 @p2 $0x1  }
0x17: {  	s4 =	simm.s32 $0x1BF5;
	[smem:$0x3FB7] =	sst s0  }
0x18: {  	s0 =	sld [smem:$0x3F9A];
	_ =	swait.ge [sflag:s4], $0x0  }
0x19: {  	s7 =	sld [smem:$0x3F9B]  }
0x1a: {  	s8 =	sadd.s32 $0xFFFFE003, lr  }
0x1b: {  	s9 =	sadd.s32 $0xFFFFFEF7, lr;
	s5 =	simm.s32 $0xFFFFFFFF;
	p2 =	slt.u32 s8, $0xFFFFF086  }
0x1c: {  	p1 =	slt.u32 s9, $0xF7A;
	s5 =	simm.s32 @!p2 $0x0  }
0x1d: {  	s5 =	simm.s32 @p1 $0x1;
	p0 =	seq.s32 s7, s2  }
0x1e: {  	s7 =	smul.u32 @!p0 $0xF7A, s2;
	p2 =	seq.s32 @!p0 s5, $0x0  }
0x1f: {  	s9 =	smul.u32 $0xF7A, s1;
	s8 =	simm.s32 @!p0 $0x1BF5;
	p2 =	por !p2, p0  }
0x20: {  	[sflag:s8] =	ssyncset.s32 @!p0 $0xFFFFF086;
	s6 =	sadd.s32 @!p0 s3, s7;
	s7 =	simm.s32 @!p0 $0x108  }
0x21: {  	s3 =	sadd.s32 s3, s9;
	s6 =	sadd.s32 @!p0 $0x88, s6;
	s7 =	simm.s32 @p2 $0x1082  }
0x22: {  	[simem:s7], [sflag:s8] =	dma.local @!p0 [hbm:s6], $0xF7A  }
0x23: {  	s9 =	sor.u32 $0xD0000000, s2;
	s6 =	simm.s32 $0x108;
	_ =	swait.ge @!p0 [sflag:s8], $0x0  }
0x24: {  	s3 =	sadd.s32 $0x88, s3;
	s6 =	simm.s32 @!p1 $0x1082;
	[sflag:s4] =	ssyncset.s32 $0xFFFFF086  }
0x25: {  	[simem:s6], [sflag:s4] =	dma.local [hbm:s3], $0xF7A  }
0x26: {  	[smem:$0x3F9B] =	sst s1;
	(tag) =	ssettag s2;
	_ =	strace s9  }
0x27: {  	s1 =	sld [smem:$0x3FAB]  }
0x28: {  	s2 =	sld [smem:$0x3FAC]  }
0x29: {  	s4 =	sld [smem:$0x3FAE]  }
0x2a: {  	p0 =	seq.s32 s5, $0x0;
	s5 =	sld [smem:$0x3FAF]  }
0x2b: {  	s6 =	sld [smem:$0x3FB0]  }
0x2c: {  	s7 =	sld [smem:$0x3FB1]  }
0x2d: {  	s3 =	simm.s32 $0x108;
	s8 =	sld [smem:$0x3FB2]  }
0x2e: {  	s3 =	simm.s32 @!p0 $0x1082;
	s9 =	sld [smem:$0x3FB3]  }
0x2f: {  	lr =	sadd.s32 s0, s3;
	s0 =	sld [smem:$0x3FAA]  }
0x30: {  	s3 =	sld [smem:$0x3FAD]  }
0x31: {  	[smem:$0x3FB6] =	sst s10  }
0x32: {  	s10 =	sld [smem:$0x3FB4];
	_ =	sdelay $0x3  }
0x33: {  	p0 =	seq.s32 s10, $0x1;
	s10 =	sld [smem:$0x3FB6];
	_ =	sdelay $0x3  }
0x34: {  	[smem:$0x3FB6] =	sst s10  }
0x35: {  	s10 =	sld [smem:$0x3FB5];
	_ =	sdelay $0x3  }
0x36: {  	p1 =	seq.s32 s10, $0x1;
	s10 =	sld [smem:$0x3FB6];
	_ =	sdelay $0x3  }
0x37: {  	[smem:$0x3FB6] =	sst s10  }
0x38: {  	s10 =	sld [smem:$0x3FB7]  }
0x39: {  	_ = 	snop;
	(pc) =	sbr.ind lr, $3  }
0x3a: {  	_ = 	snop  }
0x3b: {  	_ = 	snop  }
0x3c: {  	p2 =	seq.s32 s10, $0x1;
	s10 =	sld [smem:$0x3FB6]  }
0x3d: {  	_ =	shalt  }
0x3e: {  	_ =	shalt  }
0x3f: {  	_ =	shalt  }
0x40: {  	_ =	shalt  }
0x41: {  	_ =	shalt  }
0x42: {  	_ =	shalt  }
0x43: {  	_ =	shalt  }
0x44: {  	_ =	shalt  }
0x45: {  	_ =	shalt  }
0x46: {  	_ =	shalt  }
0x47: {  	_ =	shalt  }
0x48: {  	_ =	shalt  }
0x49: {  	_ =	shalt  }
0x4a: {  	_ =	shalt  }
0x4b: {  	_ =	shalt  }
0x4c: {  	_ =	shalt  }
0x4d: {  	_ =	shalt  }
0x4e: {  	_ =	shalt  }
0x4f: {  	_ =	shalt  }
0x50: {  	_ =	shalt  }
0x51: {  	_ =	shalt  }
0x52: {  	_ =	shalt  }
0x53: {  	_ =	shalt  }
0x54: {  	_ =	shalt  }
0x55: {  	_ =	shalt  }
0x56: {  	_ =	shalt  }
0x57: {  	_ =	shalt  }
0x58: {  	_ =	shalt  }
0x59: {  	_ =	shalt  }
0x5a: {  	_ =	shalt  }
0x5b: {  	_ =	shalt  }
0x5c: {  	_ =	shalt  }
0x5d: {  	_ =	shalt  }
0x5e: {  	_ =	shalt  }
0x5f: {  	_ =	shalt  }
0x60: {  	_ =	shalt  }
0x61: {  	_ =	shalt  }
0x62: {  	_ =	shalt  }
0x63: {  	_ =	shalt  }
0x64: {  	_ =	shalt  }
0x65: {  	_ =	shalt  }
0x66: {  	_ =	shalt  }
0x67: {  	_ =	shalt  }
0x68: {  	_ =	shalt  }
0x69: {  	_ =	shalt  }
0x6a: {  	_ =	shalt  }
0x6b: {  	_ =	shalt  }
0x6c: {  	_ =	shalt  }
0x6d: {  	_ =	shalt  }
0x6e: {  	_ =	shalt  }
0x6f: {  	_ =	shalt  }
0x70: {  	_ =	shalt  }
0x71: {  	_ =	shalt  }
0x72: {  	_ =	shalt  }
0x73: {  	_ =	shalt  }
0x74: {  	_ =	shalt  }
0x75: {  	_ =	shalt  }
0x76: {  	_ =	shalt  }
0x77: {  	_ =	shalt  }
0x78: {  	_ =	shalt  }
0x79: {  	_ =	shalt  }
0x7a: {  	_ =	shalt  }
0x7b: {  	_ =	shalt  }
0x7c: {  	_ =	shalt  }
0x7d: {  	_ =	shalt  }
0x7e: {  	_ =	shalt  }
0x7f: {  	_ =	shalt  }
0x80: {  	_ =	shalt  }
0x81: {  	_ =	shalt  }
0x82: {  	_ =	shalt  }
0x83: {  	_ =	shalt  }
0x84: {  	_ =	shalt  }
0x85: {  	_ =	shalt  }
0x86: {  	_ =	shalt  }
0x87: {  	_ =	shalt  }
.Lfunc_end0:
.L_simem_size_0:
called_computation_lowered:
.L_overlay_start_0:
0x88: {  	s2 =	sld [smem:$0x3FD9]  }
0x89: {  	s3 =	sld [smem:$0x3FFE];
	_ =	sdelay $0x1  }
0x8a: {  	s1 =	srdreg.scid  }
0x8b: {  	s0 =	sand.u32 $0x1, s1  }
0x8c: {  	s17 =	sshll.u32 s0, $0xA;
	s2 =	sadd.s32 s3, s2  }
0x8d: {  	s2 =	sadd.s32 s2, s17  }
0x8e: {  	[smem:$0x3FC2] =	sst s2  }
0x8f: {  	_ = 	snop  }
0x90: {  	s2 =	sld [smem:$0x3FC9]  }
0x91: {  	s18 =	sld [smem:$0x3FD0];
	(tm) =	ssettm $0x1  }
0x92: {  	s4 =	sld [smem:$0x3FFB];
	_ =	sdelay $0x3  }
0x93: {  	_ =	strace s4  }
0x94: {  	s4 =	sld [smem:$0x3FFC];
	_ =	sdelay $0x3  }
0x95: {  	_ =	strace s4  }
0x96: {  	s4 =	sld [smem:$0x3FFD];
	_ =	sdelay $0x3  }
0x97: {  	_ =	strace s4  }
0x98: {  	_ =	strace $0x8FFFFFFF  }
0x99: {  	s19 =	sld [smem:$0x3FDB];
	_ =	sdelay $0x1  }
0x9a: {  	s5 =	simm.s32 $_scs_section_size  }
0x9b: {  	s6 =	simm.s32 $_size__tile_overlayer_lowered;
	s7 =	simm.s32 $_tile_overlayer_lowered  }
0x9c: {  	s22 =	simm.s32 $0x1BFF;
	s21 =	sshll.u32 s7, $0x1;
	s4 =	sadd.s32 s5, s19  }
0x9d: {  	s8 =	simm.s32 $0x0;
	s20 =	sshll.u32 s6, $0x1;
	s6 =	sadd.s32 s21, s4  }
0x9e: {  	[timem:s8], [sflag:s22] =	dma.local [hbm:s6], s20  }
0x9f: {  	_ =	swait.ge [sflag:s22], s20  }
0xa0: {  	s5 =	ssub.s32 $0x0, s20;
	[sflag:s22] =	ssyncset.done $0x0  }
0xa1: {  	[sflag:s22] =	ssyncadd.s32 s5;
	_ =	sdelay $0x1  }
0xa2: {  	s23 =	simm.s32 $0x1B8B  }
0xa3: {  	_ =	swait.ge [sflag:s23], $0x1  }
0xa4: {  	[sflag:s23] =	ssyncset.done $0x0  }
0xa5: {  	s25 =	simm.s32 $0x1B8E;
	s24 =	sld [smem:$0x3FFE];
	[sflag:s23] =	ssyncadd.s32 $0xFFFFFFFF  }
0xa6: {  	s26 =	simm.s32 $execute0_lowered;
	[smem:$0x3FD2] =	sst s25  }
0xa7: {  	s6 =	sshll.u32 s26, $0x1;
	_ =	strace $0x80000046;
	[dreg:$0x1] =	wrdreg $0xFFFFFFFF  }
0xa8: {  	s28 =	simm.s32 $_size_execute0_lowered;
	s4 =	sadd.s32 s4, s6;
	[dreg:$0x0] =	wrdreg $0x0  }
0xa9: {  	s6 =	sshll.u32 s28, $0x1;
	[dreg:$0x2] =	wrdreg s4  }
0xaa: {  	[dreg:$0x3] =	wrdreg s6  }
0xab: {  	[dreg:$0x4] =	wrdreg $0xC0  }
0xac: {  	_ =	task [dreg:s8], $0x5FFFF  }
0xad: {  	[dreg:$0x1] =	wrdreg $0xFFFFFFFF  }
0xae: {  	[dreg:$0x0] =	wrdreg $0x60  }
0xaf: {  	[dreg:$0x2] =	wrdreg s2  }
0xb0: {  	[dreg:$0x3] =	wrdreg s24  }
0xb1: {  	[dreg:$0x4] =	wrdreg s18  }
0xb2: {  	[dreg:$0x5] =	wrdreg $0x9  }
0xb3: {  	_ =	task.clear_ibuf [dreg:s8], $0x6FFFF;
	_ =	strace $0x90000046  }
0xb4: {  	s29 =	simm.s32 $0x9;
	_ =	strace $0x80000048  }
0xb5: {  	_ =	swait.ge [sflag:s29], $0x1  }
0xb6: {  	[sflag:s29] =	ssyncadd.s32 $0xFFFFFFFF  }
0xb7: {  	_ =	strace $0x90000048  }
0xb8: {  	_ =	sfence  }
0xb9: {  	s30 =	sld [smem:$0x0];
	_ =	sdelay $0x2  }
0xba: {  	s31 =	sshll.u32 s1, $0xD;
	s1 =	sshrl.u32 s1, $0x2  }
0xbb: {  	s3 =	sand.u32 $0x4000, s31;
	s1 =	sadd.s32 s1, s30  }
0xbc: {  	s0 =	sor.u32 s3, s0;
	s1 =	sshll.u32 s1, $0x11  }
0xbd: {  	s0 =	sor.u32 s1, s0  }
0xbe: {  	s0 =	sadd.s32 $0x8F2B, s0  }
0xbf: {  	[sflag:s0] =	ssyncadd.remote.s32 $0x1  }
0xc0: {  	_ =	sfence.sel $0xFFFF  }
0xc1: {  	[dreg:$0x0] =	wrdreg $0xFFFFFFFF;
	(pc) =	sbr.abs _section_cstart, $3  }
0xc2: {  	[dreg:$0x1] =	wrdreg $0xFFFFFFFF  }
0xc3: {  	_ =	task.clear_ibuf [dreg:s8], $0x2FFFF;
	_ =	strace $0x9FFFFFFF  }
0xc4: {  	(tm) =	ssettm $0x7FFFFFFF  }
0xc5: {  	_ =	shalt  }
tec
execute0_lowered:
.L_overlay_start_1:
0x0: {  	(tag) =	ssettag $0x1  }
0x1: {  	s1 =	rddreg [dreg:$0x0]  }
0x2: {  	s0 =	rddreg [dreg:$0x1]  }
0x3: {  	s5 =	rddreg [dreg:$0x2]  }
0x4: {  	s3 =	srdreg.scid;
	s2 =	stileid.u32;
	s8 =	simm.s32 $0x80  }
0x5: {  	s26 =	simm.s32 $0x880;
	s9 =	simm.s32 $0x1080;
	s10 =	simm.s32 $0x1880  }
0x6: {  	s11 =	simm.s32 $0x2080;
	s12 =	simm.s32 $0x2880;
	s13 =	simm.s32 $0x3080  }
0x7: {  	s14 =	simm.s32 $0x3880;
	s15 =	simm.s32 $0x4080;
	s16 =	simm.s32 $0x4880  }
0x8: {  	s17 =	simm.s32 $0x5080;
	s18 =	simm.s32 $0x5880;
	s19 =	simm.s32 $0x6080  }
0x9: {  	s20 =	simm.s32 $0x6880;
	s21 =	simm.s32 $0x7080;
	s22 =	simm.s32 $0x7880  }
0xa: {  	s23 =	simm.s32 $0x8080;
	s28 =	simm.s32 $0xA080;
	s29 =	simm.s32 $0xA880  }
0xb: {  	s30 =	simm.s32 $0xB080;
	s31 =	simm.s32 $0xB880;
	s4 =	sand.u32 $0x1, s3  }
0xc: {  	s3 =	simm.s32 $0x0;
	s6 =	sshll.u32 s2, $0x4;
	s7 =	sshll.u32 s4, $0x3  }
0xd: {  	[smem:$0x7FF] =	sst s3;
	s4 =	ssub.s32 $0x2, s4;
	s6 =	sor.u32 s7, s6  }
0xe: {  	s24 =	sshrl.u32 s4, $0x1;
	_ =	strace $0x80000047;
	[dreg:$0x6] =	wrdreg s26  }
0xf: {  	s26 =	simm.s32 $0x9880;
	s0 =	sadd.s32 s6, s0;
	s6 =	smul.u32 $0x300, s6  }
0x10: {  	s7 =	ssub.s32 s4, s24;
	s4 =	sadd.s32 $0x100, s1;
	s0 =	sadd.s32 $0x1400, s0  }
0x11: {  	v2 =	vlaneseq.u32;
	s24 =	simm.s32 $0x8880;
	[dreg:$0x4] =	wrdreg s0;
	s25 =	sadd.s32 s5, s6  }
0x12: {  	vm0 =	vmmov $0xffff;
	v1 =	vshrl.u32 v2, $0x3;
	s5 =	sadd.s32 $0x200, s1;
	s6 =	smax.u32 s7, $0x1;
	s7 =	simm.s32 $0x2  }
0x13: {  	v0 =	vand.u32 $0x7, v2;
	v2 =	vor.u32 $0x8, v2;
	v1 =	vmul.u32 $0x8, v1;
	s0 =	simm.s32 $0x1;
	[dreg:$0x5] =	wrdreg s25;
	s25 =	simm.s32 $0x9080  }
.LBB2_1:
0x14: {  	s2 =	rddreg [dreg:$0x4]  }
0x15: {  	[tilespmem:s3], [sflag:$0x2] =	stream.linear.gather [hbm4b:s2+s3], $0x40, $0x38;
	[tilespmem:$0xC080] =	vst v63  }
0x16: {  	_ =	swait.ge [sflag:s7], $0x40  }
0x17: {  	[sflag:s7] =	ssyncset.done $0x0  }
0x18: {  	[sflag:s7] =	ssyncadd.s32 $0xFFFFFFC0  }
0x19: {  	v3 =	vld [tilespmem:$0x0];
	_ =	sdelay $0x4  }
0x1a: {  	v4 =	vshrl.u32 v3, $0x3  }
0x1b: {  	v4 =	vmul.u32 $0x30, v4  }
0x1c: {  	v3 =	vand.u32 $0x7, v3  }
0x1d: {  	v3 =	vor.u32 v3, v4  }
0x1e: {  	v4 =	vperm.xlane v3, v0;
	_ =	sdelay $0x1  }
0x1f: {  	v4 =	vadd.s32 v1, v4;
	_ =	sdelay $0x3  }
0x20: {  	v3 =	vperm.xlane v3, v2  }
0x21: {  	[tilespmem:s8], [sflag:$0x1] =	stream.indirect_vreg.gather [hbm4b:s1+s3], $0x80, v4, vm0, $0xb8;
	[tilespmem:$0xC080] =	vst v63  }
0x22: {  	s2 =	rddreg [dreg:$0x6];
	v3 =	vadd.s32 v1, v3  }
0x23: {  	[tilespmem:s2], [sflag:$0x1] =	stream.indirect_vreg.gather [hbm4b:s4+s3], $0x80, v4, vm0, $0xb8;
	[tilespmem:$0xC080] =	vst v63  }
0x24: {  	_ = 	snop  }
0x25: {  	[tilespmem:s9], [sflag:$0x1] =	stream.indirect_vreg.gather [hbm4b:s5+s3], $0x80, v4, vm0, $0xb8;
	[tilespmem:$0xC080] =	vst v63  }
0x26: {  	_ = 	snop  }
0x27: {  	[tilespmem:s10], [sflag:$0x1] =	stream.indirect_vreg.gather [hbm4b:s1+s3], $0x80, v3, vm0, $0xb8;
	[tilespmem:$0xC080] =	vst v63  }
0x28: {  	_ = 	snop  }
0x29: {  	[tilespmem:s11], [sflag:$0x1] =	stream.indirect_vreg.gather [hbm4b:s4+s3], $0x80, v3, vm0, $0xb8;
	[tilespmem:$0xC080] =	vst v63  }
0x2a: {  	_ = 	snop  }
0x2b: {  	[tilespmem:s12], [sflag:$0x1] =	stream.indirect_vreg.gather [hbm4b:s5+s3], $0x80, v3, vm0, $0xb8;
	[tilespmem:$0xC080] =	vst v63  }
0x2c: {  	v3 =	vld [tilespmem:$0x10];
	_ =	sdelay $0x4  }
0x2d: {  	v61 =	vshrl.u32 v3, $0x3  }
0x2e: {  	v4 =	vmul.u32 $0x30, v61  }
0x2f: {  	v3 =	vand.u32 $0x7, v3  }
0x30: {  	v3 =	vor.u32 v3, v4  }
0x31: {  	v4 =	vperm.xlane v3, v0;
	_ =	sdelay $0x1  }
0x32: {  	v4 =	vadd.s32 v1, v4;
	_ =	sdelay $0x3  }
0x33: {  	v3 =	vperm.xlane v3, v2  }
0x34: {  	[tilespmem:s13], [sflag:$0x1] =	stream.indirect_vreg.gather [hbm4b:s1+s3], $0x80, v4, vm0, $0xb8;
	[tilespmem:$0xC080] =	vst v63  }
0x35: {  	v3 =	vadd.s32 v1, v3  }
0x36: {  	[tilespmem:s14], [sflag:$0x1] =	stream.indirect_vreg.gather [hbm4b:s4+s3], $0x80, v4, vm0, $0xb8;
	[tilespmem:$0xC080] =	vst v63  }
0x37: {  	_ = 	snop  }
0x38: {  	[tilespmem:s15], [sflag:$0x1] =	stream.indirect_vreg.gather [hbm4b:s5+s3], $0x80, v4, vm0, $0xb8;
	[tilespmem:$0xC080] =	vst v63  }
0x39: {  	_ = 	snop  }
0x3a: {  	[tilespmem:s16], [sflag:$0x1] =	stream.indirect_vreg.gather [hbm4b:s1+s3], $0x80, v3, vm0, $0xb8;
	[tilespmem:$0xC080] =	vst v63  }
0x3b: {  	_ = 	snop  }
0x3c: {  	[tilespmem:s17], [sflag:$0x1] =	stream.indirect_vreg.gather [hbm4b:s4+s3], $0x80, v3, vm0, $0xb8;
	[tilespmem:$0xC080] =	vst v63  }
0x3d: {  	_ = 	snop  }
0x3e: {  	[tilespmem:s18], [sflag:$0x1] =	stream.indirect_vreg.gather [hbm4b:s5+s3], $0x80, v3, vm0, $0xb8;
	[tilespmem:$0xC080] =	vst v63  }
0x3f: {  	v3 =	vld [tilespmem:$0x20];
	_ =	sdelay $0x4  }
0x40: {  	v62 =	vshrl.u32 v3, $0x3  }
0x41: {  	v4 =	vmul.u32 $0x30, v62  }
0x42: {  	v3 =	vand.u32 $0x7, v3  }
0x43: {  	v3 =	vor.u32 v3, v4  }
0x44: {  	v4 =	vperm.xlane v3, v0;
	_ =	sdelay $0x1  }
0x45: {  	v4 =	vadd.s32 v1, v4;
	_ =	sdelay $0x3  }
0x46: {  	v3 =	vperm.xlane v3, v2  }
0x47: {  	[tilespmem:s19], [sflag:$0x1] =	stream.indirect_vreg.gather [hbm4b:s1+s3], $0x80, v4, vm0, $0xb8;
	[tilespmem:$0xC080] =	vst v63  }
0x48: {  	v3 =	vadd.s32 v1, v3  }
0x49: {  	[tilespmem:s20], [sflag:$0x1] =	stream.indirect_vreg.gather [hbm4b:s4+s3], $0x80, v4, vm0, $0xb8;
	[tilespmem:$0xC080] =	vst v63  }
0x4a: {  	_ = 	snop  }
0x4b: {  	[tilespmem:s21], [sflag:$0x1] =	stream.indirect_vreg.gather [hbm4b:s5+s3], $0x80, v4, vm0, $0xb8;
	[tilespmem:$0xC080] =	vst v63  }
0x4c: {  	_ = 	snop  }
0x4d: {  	[tilespmem:s22], [sflag:$0x1] =	stream.indirect_vreg.gather [hbm4b:s1+s3], $0x80, v3, vm0, $0xb8;
	[tilespmem:$0xC080] =	vst v63  }
0x4e: {  	_ = 	snop  }
0x4f: {  	[tilespmem:s23], [sflag:$0x1] =	stream.indirect_vreg.gather [hbm4b:s4+s3], $0x80, v3, vm0, $0xb8;
	[tilespmem:$0xC080] =	vst v63  }
0x50: {  	_ = 	snop  }
0x51: {  	[tilespmem:s24], [sflag:$0x1] =	stream.indirect_vreg.gather [hbm4b:s5+s3], $0x80, v3, vm0, $0xb8;
	[tilespmem:$0xC080] =	vst v63  }
0x52: {  	v3 =	vld [tilespmem:$0x30];
	_ =	sdelay $0x4  }
0x53: {  	v63 =	vshrl.u32 v3, $0x3  }
0x54: {  	v4 =	vmul.u32 $0x30, v63  }
0x55: {  	v3 =	vand.u32 $0x7, v3  }
0x56: {  	v3 =	vor.u32 v3, v4  }
0x57: {  	v4 =	vperm.xlane v3, v0;
	_ =	sdelay $0x1  }
0x58: {  	v4 =	vadd.s32 v1, v4;
	_ =	sdelay $0x3  }
0x59: {  	v3 =	vperm.xlane v3, v2  }
0x5a: {  	[tilespmem:s25], [sflag:$0x1] =	stream.indirect_vreg.gather [hbm4b:s1+s3], $0x80, v4, vm0, $0xb8;
	[tilespmem:$0xC080] =	vst v63  }
0x5b: {  	v3 =	vadd.s32 v1, v3  }
0x5c: {  	[tilespmem:s26], [sflag:$0x1] =	stream.indirect_vreg.gather [hbm4b:s4+s3], $0x80, v4, vm0, $0xb8;
	[tilespmem:$0xC080] =	vst v63  }
0x5d: {  	_ = 	snop  }
0x5e: {  	[tilespmem:s28], [sflag:$0x1] =	stream.indirect_vreg.gather [hbm4b:s5+s3], $0x80, v4, vm0, $0xb8;
	[tilespmem:$0xC080] =	vst v63  }
0x5f: {  	_ = 	snop  }
0x60: {  	[tilespmem:s29], [sflag:$0x1] =	stream.indirect_vreg.gather [hbm4b:s1+s3], $0x80, v3, vm0, $0xb8;
	[tilespmem:$0xC080] =	vst v63  }
0x61: {  	_ = 	snop  }
0x62: {  	[tilespmem:s30], [sflag:$0x1] =	stream.indirect_vreg.gather [hbm4b:s4+s3], $0x80, v3, vm0, $0xb8;
	[tilespmem:$0xC080] =	vst v63  }
0x63: {  	_ = 	snop  }
0x64: {  	[tilespmem:s31], [sflag:$0x1] =	stream.indirect_vreg.gather [hbm4b:s5+s3], $0x80, v3, vm0, $0xb8;
	[tilespmem:$0xC080] =	vst v63  }
0x65: {  	_ =	swait.ge [sflag:s0], $0xC000  }
0x66: {  	p0 =	sne.s32 s6, $0x1;
	[sflag:s0] =	ssyncset.done $0x0  }
.Ltmp0:
0x67: {  	s2 =	rddreg [dreg:$0x5];
	[sflag:s0] =	ssyncadd.s32 $0xFFFF4000;
	(pc) =	sbr.rel @p0 .LBB2_1-.Ltmp0, $4  }
0x68: {  	[hbm4b:s2+s3] =	stream.linear.scatter [tilespmem:s8], [sflag:$0x2], $0xC000, $0x38;
	[tilespmem:$0xC080] =	vst v63  }
0x69: {  	_ =	swait.ge [sflag:s7], $0xC000  }
0x6a: {  	[sflag:s7] =	ssyncset.done $0x0  }
0x6b: {  	s6 =	sadd.s32 $0xFFFFFFFF, s6;
	[sflag:s7] =	ssyncadd.s32 $0xFFFF4000  }
0x6c: {  	_ =	sfence.sel $0x180000  }
0x6d: {  	[bflag:$0x0] =	sbarrier.arrive $0xFFFF  }
0x6e: {  	_ =	strace $0x90000047  }
0x6f: {  	s0 =	stileid.u32;
	[bflag:$0x2] =	sbarrier.arrive $0xFFFF  }
0x70: {  	p0 =	sne.s32 s0, $0x0;
	s0 =	rddreg [dreg:$0x3]  }
0x71: {  	s0 =	sadd.s32 @!p0 $0x100000, s0  }
0x72: {  	[sflag:s0] =	ssyncadd.tile.s32 @!p0 $0x1;
	_ =	shalt  }
.Lfunc_end2:
_tile_overlayer_lowered:
.L_overlay_start_2:
0x73: {  	(tag) =	ssettag $0x2  }
0x74: {  	s0 =	rddreg [dreg:$0x0];
	s2 =	stileid.u32  }
0x75: {  	s1 =	rddreg [dreg:$0x1];
	p0 =	sne.s32 s2, $0x0  }
0x76: {  	s3 =	rddreg [dreg:$0x2];
	[bflag:$0x3] =	sbarrier.arrive $0xFFFF;
	s2 =	simm.s32 @!p0 $0x1C02  }
0x77: {  	[timem:s3], [sflag:s2] =	dma.local @!p0 [hbm:s0], s1  }
0x78: {  	s0 =	simm.s32 @!p0 $0x2  }
0x79: {  	_ =	swait.ge @!p0 [sflag:s0], s1  }
0x7a: {  	s1 =	ssub.s32 @!p0 $0x0, s1;
	[sflag:s0] =	ssyncset.done @!p0 $0x0  }
0x7b: {  	[sflag:s0] =	ssyncadd.s32 @!p0 s1  }
0x7c: {  	[bflag:$0x3] =	sbarrier.arrive $0xFFFF  }
0x7d: {  	_ =	shalt  }

// kernel: kernel.8.cloned.1.call-start
scs
__scs_entry_jumppad:
0x0: {  	(pc) =	sbr.rel $0x88, $3  }
0x1: {  	(tag) =	ssettag $0x0;
	lr =	simm.s32 $0x1  }
0x2: {  	[smem:$0x3F9B] =	sst lr;
	_ =	strace $0xD0000000  }
0x3: {  	_ = 	snop  }
0x4: {  	_ = 	snop  }
0x5: {  	_ = 	snop  }
0x6: {  	_ = 	snop  }
0x7: {  	_ = 	snop  }
__scs_overlays_trampoline_lowered:
0x8: {  	[smem:$0x3FAA] =	sst s0  }
0x9: {  	[smem:$0x3FAB] =	sst s1  }
0xa: {  	[smem:$0x3FAC] =	sst s2  }
0xb: {  	[smem:$0x3FAD] =	sst s3  }
0xc: {  	[smem:$0x3FAE] =	sst s4  }
0xd: {  	[smem:$0x3FAF] =	sst s5  }
0xe: {  	[smem:$0x3FB0] =	sst s6  }
0xf: {  	[smem:$0x3FB1] =	sst s7  }
0x10: {  	[smem:$0x3FB2] =	sst s8  }
0x11: {  	[smem:$0x3FB3] =	sst s9;
	s0 =	simm.s32 @!p0 $0x0  }
0x12: {  	s1 =	sld [smem:$0x3F99];
	s0 =	simm.s32 @p0 $0x1  }
0x13: {  	[smem:$0x3FB4] =	sst s0;
	s0 =	simm.s32 @!p1 $0x0  }
0x14: {  	s2 =	sld [smem:$0x3F98];
	s0 =	simm.s32 @p1 $0x1  }
0x15: {  	[smem:$0x3FB5] =	sst s0;
	s0 =	simm.s32 @!p2 $0x0  }
0x16: {  	s3 =	sld [smem:$0x3FDB];
	s0 =	simm.s32 @p2 $0x1  }
0x17: {  	s4 =	simm.s32 $0x1BF5;
	[smem:$0x3FB7] =	sst s0  }
0x18: {  	s0 =	sld [smem:$0x3F9A];
	_ =	swait.ge [sflag:s4], $0x0  }
0x19: {  	s7 =	sld [smem:$0x3F9B]  }
0x1a: {  	s8 =	sadd.s32 $0xFFFFE003, lr  }
0x1b: {  	s9 =	sadd.s32 $0xFFFFFEF7, lr;
	s5 =	simm.s32 $0xFFFFFFFF;
	p2 =	slt.u32 s8, $0xFFFFF086  }
0x1c: {  	p1 =	slt.u32 s9, $0xF7A;
	s5 =	simm.s32 @!p2 $0x0  }
0x1d: {  	s5 =	simm.s32 @p1 $0x1;
	p0 =	seq.s32 s7, s2  }
0x1e: {  	s7 =	smul.u32 @!p0 $0xF7A, s2;
	p2 =	seq.s32 @!p0 s5, $0x0  }
0x1f: {  	s9 =	smul.u32 $0xF7A, s1;
	s8 =	simm.s32 @!p0 $0x1BF5;
	p2 =	por !p2, p0  }
0x20: {  	[sflag:s8] =	ssyncset.s32 @!p0 $0xFFFFF086;
	s6 =	sadd.s32 @!p0 s3, s7;
	s7 =	simm.s32 @!p0 $0x108  }
0x21: {  	s3 =	sadd.s32 s3, s9;
	s6 =	sadd.s32 @!p0 $0x88, s6;
	s7 =	simm.s32 @p2 $0x1082  }
0x22: {  	[simem:s7], [sflag:s8] =	dma.local @!p0 [hbm:s6], $0xF7A  }
0x23: {  	s9 =	sor.u32 $0xD0000000, s2;
	s6 =	simm.s32 $0x108;
	_ =	swait.ge @!p0 [sflag:s8], $0x0  }
0x24: {  	s3 =	sadd.s32 $0x88, s3;
	s6 =	simm.s32 @!p1 $0x1082;
	[sflag:s4] =	ssyncset.s32 $0xFFFFF086  }
0x25: {  	[simem:s6], [sflag:s4] =	dma.local [hbm:s3], $0xF7A  }
0x26: {  	[smem:$0x3F9B] =	sst s1;
	(tag) =	ssettag s2;
	_ =	strace s9  }
0x27: {  	s1 =	sld [smem:$0x3FAB]  }
0x28: {  	s2 =	sld [smem:$0x3FAC]  }
0x29: {  	s4 =	sld [smem:$0x3FAE]  }
0x2a: {  	p0 =	seq.s32 s5, $0x0;
	s5 =	sld [smem:$0x3FAF]  }
0x2b: {  	s6 =	sld [smem:$0x3FB0]  }
0x2c: {  	s7 =	sld [smem:$0x3FB1]  }
0x2d: {  	s3 =	simm.s32 $0x108;
	s8 =	sld [smem:$0x3FB2]  }
0x2e: {  	s3 =	simm.s32 @!p0 $0x1082;
	s9 =	sld [smem:$0x3FB3]  }
0x2f: {  	lr =	sadd.s32 s0, s3;
	s0 =	sld [smem:$0x3FAA]  }
0x30: {  	s3 =	sld [smem:$0x3FAD]  }
0x31: {  	[smem:$0x3FB6] =	sst s10  }
0x32: {  	s10 =	sld [smem:$0x3FB4];
	_ =	sdelay $0x3  }
0x33: {  	p0 =	seq.s32 s10, $0x1;
	s10 =	sld [smem:$0x3FB6];
	_ =	sdelay $0x3  }
0x34: {  	[smem:$0x3FB6] =	sst s10  }
0x35: {  	s10 =	sld [smem:$0x3FB5];
	_ =	sdelay $0x3  }
0x36: {  	p1 =	seq.s32 s10, $0x1;
	s10 =	sld [smem:$0x3FB6];
	_ =	sdelay $0x3  }
0x37: {  	[smem:$0x3FB6] =	sst s10  }
0x38: {  	s10 =	sld [smem:$0x3FB7]  }
0x39: {  	_ = 	snop;
	(pc) =	sbr.ind lr, $3  }
0x3a: {  	_ = 	snop  }
0x3b: {  	_ = 	snop  }
0x3c: {  	p2 =	seq.s32 s10, $0x1;
	s10 =	sld [smem:$0x3FB6]  }
0x3d: {  	_ =	shalt  }
0x3e: {  	_ =	shalt  }
0x3f: {  	_ =	shalt  }
0x40: {  	_ =	shalt  }
0x41: {  	_ =	shalt  }
0x42: {  	_ =	shalt  }
0x43: {  	_ =	shalt  }
0x44: {  	_ =	shalt  }
0x45: {  	_ =	shalt  }
0x46: {  	_ =	shalt  }
0x47: {  	_ =	shalt  }
0x48: {  	_ =	shalt  }
0x49: {  	_ =	shalt  }
0x4a: {  	_ =	shalt  }
0x4b: {  	_ =	shalt  }
0x4c: {  	_ =	shalt  }
0x4d: {  	_ =	shalt  }
0x4e: {  	_ =	shalt  }
0x4f: {  	_ =	shalt  }
0x50: {  	_ =	shalt  }
0x51: {  	_ =	shalt  }
0x52: {  	_ =	shalt  }
0x53: {  	_ =	shalt  }
0x54: {  	_ =	shalt  }
0x55: {  	_ =	shalt  }
0x56: {  	_ =	shalt  }
0x57: {  	_ =	shalt  }
0x58: {  	_ =	shalt  }
0x59: {  	_ =	shalt  }
0x5a: {  	_ =	shalt  }
0x5b: {  	_ =	shalt  }
0x5c: {  	_ =	shalt  }
0x5d: {  	_ =	shalt  }
0x5e: {  	_ =	shalt  }
0x5f: {  	_ =	shalt  }
0x60: {  	_ =	shalt  }
0x61: {  	_ =	shalt  }
0x62: {  	_ =	shalt  }
0x63: {  	_ =	shalt  }
0x64: {  	_ =	shalt  }
0x65: {  	_ =	shalt  }
0x66: {  	_ =	shalt  }
0x67: {  	_ =	shalt  }
0x68: {  	_ =	shalt  }
0x69: {  	_ =	shalt  }
0x6a: {  	_ =	shalt  }
0x6b: {  	_ =	shalt  }
0x6c: {  	_ =	shalt  }
0x6d: {  	_ =	shalt  }
0x6e: {  	_ =	shalt  }
0x6f: {  	_ =	shalt  }
0x70: {  	_ =	shalt  }
0x71: {  	_ =	shalt  }
0x72: {  	_ =	shalt  }
0x73: {  	_ =	shalt  }
0x74: {  	_ =	shalt  }
0x75: {  	_ =	shalt  }
0x76: {  	_ =	shalt  }
0x77: {  	_ =	shalt  }
0x78: {  	_ =	shalt  }
0x79: {  	_ =	shalt  }
0x7a: {  	_ =	shalt  }
0x7b: {  	_ =	shalt  }
0x7c: {  	_ =	shalt  }
0x7d: {  	_ =	shalt  }
0x7e: {  	_ =	shalt  }
0x7f: {  	_ =	shalt  }
0x80: {  	_ =	shalt  }
0x81: {  	_ =	shalt  }
0x82: {  	_ =	shalt  }
0x83: {  	_ =	shalt  }
0x84: {  	_ =	shalt  }
0x85: {  	_ =	shalt  }
0x86: {  	_ =	shalt  }
0x87: {  	_ =	shalt  }
.Lfunc_end0:
.L_simem_size_0:
called_computation.1_lowered:
.L_overlay_start_0:
0x88: {  	s2 =	sld [smem:$0x3FD9]  }
0x89: {  	s3 =	sld [smem:$0x3FFE];
	_ =	sdelay $0x1  }
0x8a: {  	s1 =	srdreg.scid  }
0x8b: {  	s0 =	sand.u32 $0x1, s1  }
0x8c: {  	s17 =	sshll.u32 s0, $0xA;
	s2 =	sadd.s32 s3, s2  }
0x8d: {  	s2 =	sadd.s32 s2, s17  }
0x8e: {  	[smem:$0x3FC2] =	sst s2  }
0x8f: {  	_ = 	snop  }
0x90: {  	s2 =	sld [smem:$0x3FC4]  }
0x91: {  	s18 =	sld [smem:$0x3FD0];
	(tm) =	ssettm $0x1  }
0x92: {  	s4 =	sld [smem:$0x3FFB];
	_ =	sdelay $0x3  }
0x93: {  	_ =	strace s4  }
0x94: {  	s4 =	sld [smem:$0x3FFC];
	_ =	sdelay $0x3  }
0x95: {  	_ =	strace s4  }
0x96: {  	s4 =	sld [smem:$0x3FFD];
	_ =	sdelay $0x3  }
0x97: {  	_ =	strace s4  }
0x98: {  	_ =	strace $0x8FFFFFFF  }
0x99: {  	s19 =	sld [smem:$0x3FDB];
	_ =	sdelay $0x1  }
0x9a: {  	s5 =	simm.s32 $_scs_section_size  }
0x9b: {  	s6 =	simm.s32 $_size__tile_overlayer_lowered;
	s7 =	simm.s32 $_tile_overlayer_lowered  }
0x9c: {  	s22 =	simm.s32 $0x1BFF;
	s21 =	sshll.u32 s7, $0x1;
	s4 =	sadd.s32 s5, s19  }
0x9d: {  	s8 =	simm.s32 $0x0;
	s20 =	sshll.u32 s6, $0x1;
	s6 =	sadd.s32 s21, s4  }
0x9e: {  	[timem:s8], [sflag:s22] =	dma.local [hbm:s6], s20  }
0x9f: {  	_ =	swait.ge [sflag:s22], s20  }
0xa0: {  	s5 =	ssub.s32 $0x0, s20;
	[sflag:s22] =	ssyncset.done $0x0  }
0xa1: {  	[sflag:s22] =	ssyncadd.s32 s5;
	_ =	sdelay $0x1  }
0xa2: {  	s23 =	simm.s32 $0x1B8B  }
0xa3: {  	_ =	swait.ge [sflag:s23], $0x1  }
0xa4: {  	[sflag:s23] =	ssyncset.done $0x0  }
0xa5: {  	s25 =	simm.s32 $0x1B8E;
	s24 =	sld [smem:$0x3FFE];
	[sflag:s23] =	ssyncadd.s32 $0xFFFFFFFF  }
0xa6: {  	s26 =	simm.s32 $execute0_lowered;
	[smem:$0x3FD2] =	sst s25  }
0xa7: {  	s6 =	sshll.u32 s26, $0x1;
	_ =	strace $0x80000049;
	[dreg:$0x1] =	wrdreg $0xFFFFFFFF  }
0xa8: {  	s28 =	simm.s32 $_size_execute0_lowered;
	s4 =	sadd.s32 s4, s6;
	[dreg:$0x0] =	wrdreg $0x0  }
0xa9: {  	s6 =	sshll.u32 s28, $0x1;
	[dreg:$0x2] =	wrdreg s4  }
0xaa: {  	[dreg:$0x3] =	wrdreg s6  }
0xab: {  	[dreg:$0x4] =	wrdreg $0xC0  }
0xac: {  	_ =	task [dreg:s8], $0x5FFFF  }
0xad: {  	[dreg:$0x1] =	wrdreg $0xFFFFFFFF  }
0xae: {  	[dreg:$0x0] =	wrdreg $0x60  }
0xaf: {  	[dreg:$0x2] =	wrdreg s24  }
0xb0: {  	[dreg:$0x3] =	wrdreg s2  }
0xb1: {  	[dreg:$0x4] =	wrdreg s18  }
0xb2: {  	[dreg:$0x5] =	wrdreg $0x9  }
0xb3: {  	_ =	task.clear_ibuf [dreg:s8], $0x6FFFF;
	_ =	strace $0x90000049  }
0xb4: {  	s29 =	simm.s32 $0x9;
	_ =	strace $0x8000004B  }
0xb5: {  	_ =	swait.ge [sflag:s29], $0x1  }
0xb6: {  	[sflag:s29] =	ssyncadd.s32 $0xFFFFFFFF  }
0xb7: {  	_ =	strace $0x9000004B  }
0xb8: {  	_ =	sfence  }
0xb9: {  	s30 =	sld [smem:$0x0];
	_ =	sdelay $0x2  }
0xba: {  	s31 =	sshll.u32 s1, $0xD;
	s1 =	sshrl.u32 s1, $0x2  }
0xbb: {  	s3 =	sand.u32 $0x4000, s31;
	s1 =	sadd.s32 s1, s30  }
0xbc: {  	s0 =	sor.u32 s3, s0;
	s1 =	sshll.u32 s1, $0x11  }
0xbd: {  	s0 =	sor.u32 s1, s0  }
0xbe: {  	s0 =	sadd.s32 $0x8F2B, s0  }
0xbf: {  	[sflag:s0] =	ssyncadd.remote.s32 $0x1  }
0xc0: {  	_ =	sfence.sel $0xFFFF  }
0xc1: {  	[dreg:$0x0] =	wrdreg $0xFFFFFFFF;
	(pc) =	sbr.abs _section_cstart, $3  }
0xc2: {  	[dreg:$0x1] =	wrdreg $0xFFFFFFFF  }
0xc3: {  	_ =	task.clear_ibuf [dreg:s8], $0x2FFFF;
	_ =	strace $0x9FFFFFFF  }
0xc4: {  	(tm) =	ssettm $0x7FFFFFFF  }
0xc5: {  	_ =	shalt  }
tec
execute0_lowered:
.L_overlay_start_1:
0x0: {  	(tag) =	ssettag $0x1  }
0x1: {  	s1 =	srdreg.scid  }
0x2: {  	s4 =	rddreg [dreg:$0x0];
	s0 =	stileid.u32;
	s1 =	sand.u32 $0x1, s1  }
0x3: {  	s5 =	rddreg [dreg:$0x1];
	s3 =	sshll.u32 s0, $0x5;
	s6 =	sshll.u32 s1, $0x4  }
0x4: {  	s2 =	rddreg [dreg:$0x2];
	s6 =	sor.u32 s6, s3;
	s3 =	simm.s32 $0x0  }
0x5: {  	[smem:$0x7FF] =	sst s3;
	s5 =	sadd.s32 s5, s6  }
0x6: {  	s24 =	simm.s32 $0x880;
	_ =	strace $0x8000004A;
	[dreg:$0x4] =	wrdreg s5  }
0x7: {  	s25 =	simm.s32 $0x1080;
	[dreg:$0x6] =	wrdreg s24  }
0x8: {  	s26 =	simm.s32 $0x1880;
	[dreg:$0x7] =	wrdreg s25  }
0x9: {  	s0 =	simm.s32 $0x2080;
	[dreg:$0x8] =	wrdreg s26  }
0xa: {  	s7 =	smul.u32 $0x300, s6;
	s6 =	simm.s32 $0x3080;
	[dreg:$0x9] =	wrdreg s0  }
0xb: {  	s8 =	simm.s32 $0x4080;
	[dreg:$0xb] =	wrdreg s6  }
0xc: {  	s9 =	simm.s32 $0x4880;
	[dreg:$0xd] =	wrdreg s8  }
0xd: {  	s10 =	simm.s32 $0x5080;
	[dreg:$0xe] =	wrdreg s9  }
0xe: {  	s11 =	simm.s32 $0x5880;
	[dreg:$0xf] =	wrdreg s10  }
0xf: {  	s12 =	simm.s32 $0x6080;
	[dreg:$0x10] =	wrdreg s11  }
0x10: {  	s13 =	simm.s32 $0x6880;
	[dreg:$0x11] =	wrdreg s12  }
0x11: {  	s14 =	simm.s32 $0x7080;
	[dreg:$0x12] =	wrdreg s13  }
0x12: {  	s15 =	simm.s32 $0x7880;
	s16 =	simm.s32 $0x8080;
	[dreg:$0x13] =	wrdreg s14  }
0x13: {  	s17 =	simm.s32 $0x8880;
	s18 =	simm.s32 $0x9080;
	[dreg:$0x14] =	wrdreg s15  }
0x14: {  	s20 =	simm.s32 $0x9880;
	s21 =	simm.s32 $0xA080;
	[dreg:$0x15] =	wrdreg s16  }
0x15: {  	s22 =	simm.s32 $0xA880;
	s23 =	simm.s32 $0xB080;
	[dreg:$0x16] =	wrdreg s17  }
0x16: {  	s28 =	simm.s32 $0x16080;
	s29 =	simm.s32 $0x16880;
	[dreg:$0x17] =	wrdreg s18  }
0x17: {  	s30 =	simm.s32 $0x17080;
	s1 =	ssub.s32 $0x2, s1;
	[dreg:$0x18] =	wrdreg s20  }
0x18: {  	s31 =	simm.s32 $0x17880;
	s19 =	sshrl.u32 s1, $0x1;
	[dreg:$0x19] =	wrdreg s21  }
0x19: {  	s1 =	ssub.s32 s1, s19;
	s19 =	simm.s32 $0x12080;
	[dreg:$0x1a] =	wrdreg s22  }
0x1a: {  	s5 =	simm.s32 $0x2880;
	s6 =	smax.u32 s1, $0x1;
	[dreg:$0x1b] =	wrdreg s23  }
0x1b: {  	s24 =	simm.s32 $0xB880;
	s25 =	simm.s32 $0xC080;
	s8 =	simm.s32 $0x80  }
0x1c: {  	s26 =	simm.s32 $0xC880;
	s10 =	simm.s32 $0xD880;
	s11 =	simm.s32 $0xE080  }
0x1d: {  	s12 =	simm.s32 $0xE880;
	s13 =	simm.s32 $0xF080;
	s14 =	simm.s32 $0xF880  }
0x1e: {  	s15 =	simm.s32 $0x10080;
	s16 =	simm.s32 $0x10880;
	s17 =	simm.s32 $0x11080  }
0x1f: {  	s18 =	simm.s32 $0x11880;
	s20 =	simm.s32 $0x12880;
	s21 =	simm.s32 $0x13080  }
0x20: {  	s22 =	simm.s32 $0x13880;
	s23 =	simm.s32 $0x14080;
	[dreg:$0xa] =	wrdreg s5  }
0x21: {  	s1 =	simm.s32 $0x1;
	s4 =	sadd.s32 s7, s4;
	[dreg:$0x1c] =	wrdreg s24  }
0x22: {  	s7 =	simm.s32 $0x3880;
	s5 =	sadd.s32 $0x200, s2;
	[dreg:$0x1d] =	wrdreg s25  }
0x23: {  	v2 =	vlaneseq.u32;
	[dreg:$0x1e] =	wrdreg s26;
	s24 =	simm.s32 $0x14880;
	s25 =	simm.s32 $0x15080  }
0x24: {  	vm0 =	vmmov $0xffff;
	v1 =	vshrl.u32 v2, $0x3;
	s26 =	simm.s32 $0x15880;
	s4 =	sadd.s32 $0x1400, s4;
	[dreg:$0xc] =	wrdreg s7  }
0x25: {  	v0 =	vand.u32 $0x7, v2;
	v2 =	vor.u32 $0x8, v2;
	v1 =	vmul.u32 $0x8, v1;
	s7 =	simm.s32 $0x2;
	[dreg:$0x5] =	wrdreg s4;
	s4 =	sadd.s32 $0x100, s2  }
.LBB2_1:
0x26: {  	s0 =	rddreg [dreg:$0x4]  }
0x27: {  	[tilespmem:s3], [sflag:$0x2] =	stream.linear.gather [hbm4b:s0+s3], $0x80, $0x38;
	[tilespmem:$0x18080] =	vst v63  }
0x28: {  	_ =	swait.ge [sflag:s7], $0x80  }
0x29: {  	[sflag:s7] =	ssyncset.done $0x0  }
0x2a: {  	s9 =	rddreg [dreg:$0x5];
	[sflag:s7] =	ssyncadd.s32 $0xFFFFFF80  }
0x2b: {  	[tilespmem:s8], [sflag:$0x2] =	stream.linear.gather [hbm4b:s9+s3], $0x18000, $0x38;
	[tilespmem:$0x18080] =	vst v63  }
0x2c: {  	_ =	swait.ge [sflag:s7], $0x18000  }
0x2d: {  	[sflag:s7] =	ssyncset.done $0x0  }
0x2e: {  	[sflag:s7] =	ssyncadd.s32 $0xFFFE8000  }
0x2f: {  	v3 =	vld [tilespmem:$0x0];
	_ =	sdelay $0x4  }
0x30: {  	v4 =	vshrl.u32 v3, $0x3  }
0x31: {  	v4 =	vmul.u32 $0x30, v4  }
0x32: {  	v3 =	vand.u32 $0x7, v3  }
0x33: {  	v3 =	vor.u32 v3, v4  }
0x34: {  	v4 =	vperm.xlane v3, v0;
	_ =	sdelay $0x1  }
0x35: {  	v4 =	vadd.s32 v1, v4;
	_ =	sdelay $0x3  }
0x36: {  	v3 =	vperm.xlane v3, v2  }
0x37: {  	[hbm4b:s2+s3] =	stream.indirect_vreg.scatter [tilespmem:s8], [sflag:$0x1], $0x80, v4, vm0, $0xb8;
	[tilespmem:$0x18080] =	vst v63  }
0x38: {  	s0 =	rddreg [dreg:$0x6];
	v3 =	vadd.s32 v1, v3  }
0x39: {  	[hbm4b:s4+s3] =	stream.indirect_vreg.scatter [tilespmem:s0], [sflag:$0x1], $0x80, v4, vm0, $0xb8;
	[tilespmem:$0x18080] =	vst v63  }
0x3a: {  	s9 =	rddreg [dreg:$0x7]  }
0x3b: {  	[hbm4b:s5+s3] =	stream.indirect_vreg.scatter [tilespmem:s9], [sflag:$0x1], $0x80, v4, vm0, $0xb8;
	[tilespmem:$0x18080] =	vst v63  }
0x3c: {  	s0 =	rddreg [dreg:$0x8]  }
0x3d: {  	[hbm4b:s2+s3] =	stream.indirect_vreg.scatter [tilespmem:s0], [sflag:$0x1], $0x80, v3, vm0, $0xb8;
	[tilespmem:$0x18080] =	vst v63  }
0x3e: {  	s9 =	rddreg [dreg:$0x9]  }
0x3f: {  	[hbm4b:s4+s3] =	stream.indirect_vreg.scatter [tilespmem:s9], [sflag:$0x1], $0x80, v3, vm0, $0xb8;
	[tilespmem:$0x18080] =	vst v63  }
0x40: {  	s0 =	rddreg [dreg:$0xa]  }
0x41: {  	[hbm4b:s5+s3] =	stream.indirect_vreg.scatter [tilespmem:s0], [sflag:$0x1], $0x80, v3, vm0, $0xb8;
	[tilespmem:$0x18080] =	vst v63  }
0x42: {  	v3 =	vld [tilespmem:$0x10];
	_ =	sdelay $0x4  }
0x43: {  	v57 =	vshrl.u32 v3, $0x3  }
0x44: {  	v4 =	vmul.u32 $0x30, v57  }
0x45: {  	v3 =	vand.u32 $0x7, v3  }
0x46: {  	v3 =	vor.u32 v3, v4  }
0x47: {  	v4 =	vperm.xlane v3, v0;
	_ =	sdelay $0x1  }
0x48: {  	v4 =	vadd.s32 v1, v4;
	_ =	sdelay $0x3  }
0x49: {  	s0 =	rddreg [dreg:$0xb];
	v3 =	vperm.xlane v3, v2  }
0x4a: {  	[hbm4b:s2+s3] =	stream.indirect_vreg.scatter [tilespmem:s0], [sflag:$0x1], $0x80, v4, vm0, $0xb8;
	[tilespmem:$0x18080] =	vst v63  }
0x4b: {  	s9 =	rddreg [dreg:$0xc];
	v3 =	vadd.s32 v1, v3  }
0x4c: {  	[hbm4b:s4+s3] =	stream.indirect_vreg.scatter [tilespmem:s9], [sflag:$0x1], $0x80, v4, vm0, $0xb8;
	[tilespmem:$0x18080] =	vst v63  }
0x4d: {  	s0 =	rddreg [dreg:$0xd]  }
0x4e: {  	[hbm4b:s5+s3] =	stream.indirect_vreg.scatter [tilespmem:s0], [sflag:$0x1], $0x80, v4, vm0, $0xb8;
	[tilespmem:$0x18080] =	vst v63  }
0x4f: {  	s9 =	rddreg [dreg:$0xe]  }
0x50: {  	[hbm4b:s2+s3] =	stream.indirect_vreg.scatter [tilespmem:s9], [sflag:$0x1], $0x80, v3, vm0, $0xb8;
	[tilespmem:$0x18080] =	vst v63  }
0x51: {  	s0 =	rddreg [dreg:$0xf]  }
0x52: {  	[hbm4b:s4+s3] =	stream.indirect_vreg.scatter [tilespmem:s0], [sflag:$0x1], $0x80, v3, vm0, $0xb8;
	[tilespmem:$0x18080] =	vst v63  }
0x53: {  	s9 =	rddreg [dreg:$0x10]  }
0x54: {  	[hbm4b:s5+s3] =	stream.indirect_vreg.scatter [tilespmem:s9], [sflag:$0x1], $0x80, v3, vm0, $0xb8;
	[tilespmem:$0x18080] =	vst v63  }
0x55: {  	v3 =	vld [tilespmem:$0x20];
	_ =	sdelay $0x4  }
0x56: {  	v58 =	vshrl.u32 v3, $0x3  }
0x57: {  	v4 =	vmul.u32 $0x30, v58  }
0x58: {  	v3 =	vand.u32 $0x7, v3  }
0x59: {  	v3 =	vor.u32 v3, v4  }
0x5a: {  	v4 =	vperm.xlane v3, v0;
	_ =	sdelay $0x1  }
0x5b: {  	v4 =	vadd.s32 v1, v4;
	_ =	sdelay $0x3  }
0x5c: {  	s0 =	rddreg [dreg:$0x11];
	v3 =	vperm.xlane v3, v2  }
0x5d: {  	[hbm4b:s2+s3] =	stream.indirect_vreg.scatter [tilespmem:s0], [sflag:$0x1], $0x80, v4, vm0, $0xb8;
	[tilespmem:$0x18080] =	vst v63  }
0x5e: {  	s9 =	rddreg [dreg:$0x12];
	v3 =	vadd.s32 v1, v3  }
0x5f: {  	[hbm4b:s4+s3] =	stream.indirect_vreg.scatter [tilespmem:s9], [sflag:$0x1], $0x80, v4, vm0, $0xb8;
	[tilespmem:$0x18080] =	vst v63  }
0x60: {  	s0 =	rddreg [dreg:$0x13]  }
0x61: {  	[hbm4b:s5+s3] =	stream.indirect_vreg.scatter [tilespmem:s0], [sflag:$0x1], $0x80, v4, vm0, $0xb8;
	[tilespmem:$0x18080] =	vst v63  }
0x62: {  	s9 =	rddreg [dreg:$0x14]  }
0x63: {  	[hbm4b:s2+s3] =	stream.indirect_vreg.scatter [tilespmem:s9], [sflag:$0x1], $0x80, v3, vm0, $0xb8;
	[tilespmem:$0x18080] =	vst v63  }
0x64: {  	s0 =	rddreg [dreg:$0x15]  }
0x65: {  	[hbm4b:s4+s3] =	stream.indirect_vreg.scatter [tilespmem:s0], [sflag:$0x1], $0x80, v3, vm0, $0xb8;
	[tilespmem:$0x18080] =	vst v63  }
0x66: {  	s9 =	rddreg [dreg:$0x16]  }
0x67: {  	[hbm4b:s5+s3] =	stream.indirect_vreg.scatter [tilespmem:s9], [sflag:$0x1], $0x80, v3, vm0, $0xb8;
	[tilespmem:$0x18080] =	vst v63  }
0x68: {  	v3 =	vld [tilespmem:$0x30];
	_ =	sdelay $0x4  }
0x69: {  	v59 =	vshrl.u32 v3, $0x3  }
0x6a: {  	v4 =	vmul.u32 $0x30, v59  }
0x6b: {  	v3 =	vand.u32 $0x7, v3  }
0x6c: {  	v3 =	vor.u32 v3, v4  }
0x6d: {  	v4 =	vperm.xlane v3, v0;
	_ =	sdelay $0x1  }
0x6e: {  	v4 =	vadd.s32 v1, v4;
	_ =	sdelay $0x3  }
0x6f: {  	s0 =	rddreg [dreg:$0x17];
	v3 =	vperm.xlane v3, v2  }
0x70: {  	[hbm4b:s2+s3] =	stream.indirect_vreg.scatter [tilespmem:s0], [sflag:$0x1], $0x80, v4, vm0, $0xb8;
	[tilespmem:$0x18080] =	vst v63  }
0x71: {  	s9 =	rddreg [dreg:$0x18];
	v3 =	vadd.s32 v1, v3  }
0x72: {  	[hbm4b:s4+s3] =	stream.indirect_vreg.scatter [tilespmem:s9], [sflag:$0x1], $0x80, v4, vm0, $0xb8;
	[tilespmem:$0x18080] =	vst v63  }
0x73: {  	s0 =	rddreg [dreg:$0x19]  }
0x74: {  	[hbm4b:s5+s3] =	stream.indirect_vreg.scatter [tilespmem:s0], [sflag:$0x1], $0x80, v4, vm0, $0xb8;
	[tilespmem:$0x18080] =	vst v63  }
0x75: {  	s9 =	rddreg [dreg:$0x1a]  }
0x76: {  	[hbm4b:s2+s3] =	stream.indirect_vreg.scatter [tilespmem:s9], [sflag:$0x1], $0x80, v3, vm0, $0xb8;
	[tilespmem:$0x18080] =	vst v63  }
0x77: {  	s0 =	rddreg [dreg:$0x1b]  }
0x78: {  	[hbm4b:s4+s3] =	stream.indirect_vreg.scatter [tilespmem:s0], [sflag:$0x1], $0x80, v3, vm0, $0xb8;
	[tilespmem:$0x18080] =	vst v63  }
0x79: {  	s9 =	rddreg [dreg:$0x1c]  }
0x7a: {  	[hbm4b:s5+s3] =	stream.indirect_vreg.scatter [tilespmem:s9], [sflag:$0x1], $0x80, v3, vm0, $0xb8;
	[tilespmem:$0x18080] =	vst v63  }
0x7b: {  	v3 =	vld [tilespmem:$0x40];
	_ =	sdelay $0x4  }
0x7c: {  	v60 =	vshrl.u32 v3, $0x3  }
0x7d: {  	v4 =	vmul.u32 $0x30, v60  }
0x7e: {  	v3 =	vand.u32 $0x7, v3  }
0x7f: {  	v3 =	vor.u32 v3, v4  }
0x80: {  	v4 =	vperm.xlane v3, v0;
	_ =	sdelay $0x1  }
0x81: {  	v4 =	vadd.s32 v1, v4;
	_ =	sdelay $0x3  }
0x82: {  	s0 =	rddreg [dreg:$0x1d];
	v3 =	vperm.xlane v3, v2  }
0x83: {  	[hbm4b:s2+s3] =	stream.indirect_vreg.scatter [tilespmem:s0], [sflag:$0x1], $0x80, v4, vm0, $0xb8;
	[tilespmem:$0x18080] =	vst v63  }
0x84: {  	s9 =	rddreg [dreg:$0x1e];
	v3 =	vadd.s32 v1, v3  }
0x85: {  	[hbm4b:s4+s3] =	stream.indirect_vreg.scatter [tilespmem:s9], [sflag:$0x1], $0x80, v4, vm0, $0xb8;
	[tilespmem:$0x18080] =	vst v63  }
0x86: {  	s9 =	simm.s32 $0xD080  }
0x87: {  	[hbm4b:s5+s3] =	stream.indirect_vreg.scatter [tilespmem:s9], [sflag:$0x1], $0x80, v4, vm0, $0xb8;
	[tilespmem:$0x18080] =	vst v63  }
0x88: {  	_ = 	snop  }
0x89: {  	[hbm4b:s2+s3] =	stream.indirect_vreg.scatter [tilespmem:s10], [sflag:$0x1], $0x80, v3, vm0, $0xb8;
	[tilespmem:$0x18080] =	vst v63  }
0x8a: {  	_ = 	snop  }
0x8b: {  	[hbm4b:s4+s3] =	stream.indirect_vreg.scatter [tilespmem:s11], [sflag:$0x1], $0x80, v3, vm0, $0xb8;
	[tilespmem:$0x18080] =	vst v63  }
0x8c: {  	_ = 	snop  }
0x8d: {  	[hbm4b:s5+s3] =	stream.indirect_vreg.scatter [tilespmem:s12], [sflag:$0x1], $0x80, v3, vm0, $0xb8;
	[tilespmem:$0x18080] =	vst v63  }
0x8e: {  	v3 =	vld [tilespmem:$0x50];
	_ =	sdelay $0x4  }
0x8f: {  	v61 =	vshrl.u32 v3, $0x3  }
0x90: {  	v4 =	vmul.u32 $0x30, v61  }
0x91: {  	v3 =	vand.u32 $0x7, v3  }
0x92: {  	v3 =	vor.u32 v3, v4  }
0x93: {  	v4 =	vperm.xlane v3, v0;
	_ =	sdelay $0x1  }
0x94: {  	v4 =	vadd.s32 v1, v4;
	_ =	sdelay $0x3  }
0x95: {  	v3 =	vperm.xlane v3, v2  }
0x96: {  	[hbm4b:s2+s3] =	stream.indirect_vreg.scatter [tilespmem:s13], [sflag:$0x1], $0x80, v4, vm0, $0xb8;
	[tilespmem:$0x18080] =	vst v63  }
0x97: {  	v3 =	vadd.s32 v1, v3  }
0x98: {  	[hbm4b:s4+s3] =	stream.indirect_vreg.scatter [tilespmem:s14], [sflag:$0x1], $0x80, v4, vm0, $0xb8;
	[tilespmem:$0x18080] =	vst v63  }
0x99: {  	_ = 	snop  }
0x9a: {  	[hbm4b:s5+s3] =	stream.indirect_vreg.scatter [tilespmem:s15], [sflag:$0x1], $0x80, v4, vm0, $0xb8;
	[tilespmem:$0x18080] =	vst v63  }
0x9b: {  	_ = 	snop  }
0x9c: {  	[hbm4b:s2+s3] =	stream.indirect_vreg.scatter [tilespmem:s16], [sflag:$0x1], $0x80, v3, vm0, $0xb8;
	[tilespmem:$0x18080] =	vst v63  }
0x9d: {  	_ = 	snop  }
0x9e: {  	[hbm4b:s4+s3] =	stream.indirect_vreg.scatter [tilespmem:s17], [sflag:$0x1], $0x80, v3, vm0, $0xb8;
	[tilespmem:$0x18080] =	vst v63  }
0x9f: {  	_ = 	snop  }
0xa0: {  	[hbm4b:s5+s3] =	stream.indirect_vreg.scatter [tilespmem:s18], [sflag:$0x1], $0x80, v3, vm0, $0xb8;
	[tilespmem:$0x18080] =	vst v63  }
0xa1: {  	v3 =	vld [tilespmem:$0x60];
	_ =	sdelay $0x4  }
0xa2: {  	v62 =	vshrl.u32 v3, $0x3  }
0xa3: {  	v4 =	vmul.u32 $0x30, v62  }
0xa4: {  	v3 =	vand.u32 $0x7, v3  }
0xa5: {  	v3 =	vor.u32 v3, v4  }
0xa6: {  	v4 =	vperm.xlane v3, v0;
	_ =	sdelay $0x1  }
0xa7: {  	v4 =	vadd.s32 v1, v4;
	_ =	sdelay $0x3  }
0xa8: {  	v3 =	vperm.xlane v3, v2  }
0xa9: {  	[hbm4b:s2+s3] =	stream.indirect_vreg.scatter [tilespmem:s19], [sflag:$0x1], $0x80, v4, vm0, $0xb8;
	[tilespmem:$0x18080] =	vst v63  }
0xaa: {  	v3 =	vadd.s32 v1, v3  }
0xab: {  	[hbm4b:s4+s3] =	stream.indirect_vreg.scatter [tilespmem:s20], [sflag:$0x1], $0x80, v4, vm0, $0xb8;
	[tilespmem:$0x18080] =	vst v63  }
0xac: {  	_ = 	snop  }
0xad: {  	[hbm4b:s5+s3] =	stream.indirect_vreg.scatter [tilespmem:s21], [sflag:$0x1], $0x80, v4, vm0, $0xb8;
	[tilespmem:$0x18080] =	vst v63  }
0xae: {  	_ = 	snop  }
0xaf: {  	[hbm4b:s2+s3] =	stream.indirect_vreg.scatter [tilespmem:s22], [sflag:$0x1], $0x80, v3, vm0, $0xb8;
	[tilespmem:$0x18080] =	vst v63  }
0xb0: {  	_ = 	snop  }
0xb1: {  	[hbm4b:s4+s3] =	stream.indirect_vreg.scatter [tilespmem:s23], [sflag:$0x1], $0x80, v3, vm0, $0xb8;
	[tilespmem:$0x18080] =	vst v63  }
0xb2: {  	_ = 	snop  }
0xb3: {  	[hbm4b:s5+s3] =	stream.indirect_vreg.scatter [tilespmem:s24], [sflag:$0x1], $0x80, v3, vm0, $0xb8;
	[tilespmem:$0x18080] =	vst v63  }
0xb4: {  	v3 =	vld [tilespmem:$0x70];
	_ =	sdelay $0x4  }
0xb5: {  	v63 =	vshrl.u32 v3, $0x3  }
0xb6: {  	v4 =	vmul.u32 $0x30, v63  }
0xb7: {  	v3 =	vand.u32 $0x7, v3  }
0xb8: {  	v3 =	vor.u32 v3, v4  }
0xb9: {  	v4 =	vperm.xlane v3, v0;
	_ =	sdelay $0x1  }
0xba: {  	v4 =	vadd.s32 v1, v4;
	_ =	sdelay $0x3  }
0xbb: {  	v3 =	vperm.xlane v3, v2  }
0xbc: {  	[hbm4b:s2+s3] =	stream.indirect_vreg.scatter [tilespmem:s25], [sflag:$0x1], $0x80, v4, vm0, $0xb8;
	[tilespmem:$0x18080] =	vst v63  }
0xbd: {  	v3 =	vadd.s32 v1, v3  }
0xbe: {  	[hbm4b:s4+s3] =	stream.indirect_vreg.scatter [tilespmem:s26], [sflag:$0x1], $0x80, v4, vm0, $0xb8;
	[tilespmem:$0x18080] =	vst v63  }
0xbf: {  	_ = 	snop  }
0xc0: {  	[hbm4b:s5+s3] =	stream.indirect_vreg.scatter [tilespmem:s28], [sflag:$0x1], $0x80, v4, vm0, $0xb8;
	[tilespmem:$0x18080] =	vst v63  }
0xc1: {  	_ = 	snop  }
0xc2: {  	[hbm4b:s2+s3] =	stream.indirect_vreg.scatter [tilespmem:s29], [sflag:$0x1], $0x80, v3, vm0, $0xb8;
	[tilespmem:$0x18080] =	vst v63  }
0xc3: {  	p0 =	sne.s32 s6, $0x1  }
0xc4: {  	[hbm4b:s4+s3] =	stream.indirect_vreg.scatter [tilespmem:s30], [sflag:$0x1], $0x80, v3, vm0, $0xb8;
	[tilespmem:$0x18080] =	vst v63  }
.Ltmp0:
0xc5: {  	_ = 	snop;
	(pc) =	sbr.rel @p0 .LBB2_1-.Ltmp0, $4  }
0xc6: {  	[hbm4b:s5+s3] =	stream.indirect_vreg.scatter [tilespmem:s31], [sflag:$0x1], $0x80, v3, vm0, $0xb8;
	[tilespmem:$0x18080] =	vst v63  }
0xc7: {  	_ =	swait.ge [sflag:s1], $0x18000  }
0xc8: {  	[sflag:s1] =	ssyncset.done $0x0  }
0xc9: {  	s6 =	sadd.s32 $0xFFFFFFFF, s6;
	[sflag:s1] =	ssyncadd.s32 $0xFFFE8000  }
0xca: {  	_ =	sfence.sel $0x180000  }
0xcb: {  	[bflag:$0x0] =	sbarrier.arrive $0xFFFF  }
0xcc: {  	_ =	strace $0x9000004A  }
0xcd: {  	s0 =	stileid.u32;
	[bflag:$0x2] =	sbarrier.arrive $0xFFFF  }
0xce: {  	p0 =	sne.s32 s0, $0x0;
	s0 =	rddreg [dreg:$0x3]  }
0xcf: {  	s0 =	sadd.s32 @!p0 $0x100000, s0  }
0xd0: {  	[sflag:s0] =	ssyncadd.tile.s32 @!p0 $0x1;
	_ =	shalt  }
.Lfunc_end2:
_tile_overlayer_lowered:
.L_overlay_start_2:
0xd1: {  	(tag) =	ssettag $0x2  }
0xd2: {  	s0 =	rddreg [dreg:$0x0];
	s2 =	stileid.u32  }
0xd3: {  	s1 =	rddreg [dreg:$0x1];
	p0 =	sne.s32 s2, $0x0  }
0xd4: {  	s3 =	rddreg [dreg:$0x2];
	[bflag:$0x3] =	sbarrier.arrive $0xFFFF;
	s2 =	simm.s32 @!p0 $0x1C02  }
0xd5: {  	[timem:s3], [sflag:s2] =	dma.local @!p0 [hbm:s0], s1  }
0xd6: {  	s0 =	simm.s32 @!p0 $0x2  }
0xd7: {  	_ =	swait.ge @!p0 [sflag:s0], s1  }
0xd8: {  	s1 =	ssub.s32 @!p0 $0x0, s1;
	[sflag:s0] =	ssyncset.done @!p0 $0x0  }
0xd9: {  	[sflag:s0] =	ssyncadd.s32 @!p0 s1  }
0xda: {  	[bflag:$0x3] =	sbarrier.arrive $0xFFFF  }
0xdb: {  	_ =	shalt  }

</sc_bundles>
